<compile_context>
chip_gen: v7x
topology: tpu7x:2x2x1
jax: 0.10.2.dev20260603
libtpu: 0.0.44.dev20260713+nightly
codegen_flags: <defaults>
</compile_context>

<pallas_src>
import functools

import jax
import jax.numpy as jnp
import numpy as np
from jax import lax
from jax.experimental import pallas as pl
from jax.experimental.pallas import tpu as pltpu

N = 512
D = 256
K_EDGES = 1308
CAP = 2048
MAXC = 1536
NEG_INF = np.float32(-np.inf)
SENTINEL = np.float32(-3e38)


def _gelu_exact(pre):
    half_pre = pre * np.float32(0.5)
    z = (-pre) * np.float32(0.707106769)
    az = jnp.abs(z)
    lt1 = az < np.float32(1.0)
    z2 = z * z
    p = z2 * np.float32(7.85386146e-05) + np.float32(-0.000801019371)
    p = p * z2 + np.float32(0.00518832775)
    p = p * z2 + np.float32(-0.0268538129)
    p = p * z2 + np.float32(0.112835854)
    p = p * z2 + np.float32(-0.37612626)
    p = p * z2 + np.float32(1.12837911)
    res_small = np.float32(1.0) - z * p
    w = np.float32(1.0) / z2
    q = w * np.float32(0.0232682) + np.float32(-0.138703942)
    q = q * w + np.float32(0.368742466)
    q = q * w + np.float32(-0.582473278)
    q = q * w + np.float32(0.621000469)
    q = q * w + np.float32(-0.494451523)
    q = q * w + np.float32(0.340488)
    q = q * w + np.float32(-0.274112701)
    qa = q * w + np.float32(0.563825965)
    qb = w * np.float32(-10.477664) + np.float32(12.9772)
    qb = qb * w + np.float32(-7.49551868)
    qb = qb * w + np.float32(2.92101908)
    qb = qb * w + np.float32(-1.01526523)
    qb = qb * w + np.float32(0.42184633)
    qb = qb * w + np.float32(-0.282076746)
    qb = qb * w + np.float32(0.564189494)
    qsel = jnp.where(az < np.float32(2.0), qa, qb)
    nz2 = -z2
    e = jnp.exp(nz2)
    rinv = np.float32(1.0) / az
    big = (e * rinv) * qsel
    big = jnp.where(nz2 < np.float32(-88.7228394), np.float32(0.0), big)
    big = jnp.where(z < np.float32(0.0), np.float32(2.0) - big, big)
    erfc_res = jnp.where(lt1, res_small, big)
    return half_pre * erfc_res


def _gelu_approx(x):
    y = x * x
    h = y * np.float32(-1.3328512e-09) + np.float32(1.0570902e-07)
    h = h * y + np.float32(-3.6820672e-06)
    h = h * y + np.float32(7.4973395e-05)
    h = h * y + np.float32(-1.0054472e-03)
    h = h * y + np.float32(9.4912220e-03)
    h = h * y + np.float32(-6.5830946e-02)
    h = h * y + np.float32(3.9858928e-01)
    h = h * y + np.float32(3.1390351e-05)
    g = x * np.float32(0.5) + h
    g = jnp.where(x > np.float32(4.0), x, g)
    return jnp.where(x < np.float32(-4.0), np.float32(0.0), g)


def _score_body(x_ref, w1_ref, b1_ref, w2_ref, b2_ref,
                logits_ref, tinfo_ref, hs_scr, ht_scr, htb_scr):
    x = x_ref[...]
    w1 = w1_ref[...]
    hs_scr[...] = jax.lax.dot_general(
        x, w1[:D, :], (((1,), (0,)), ((), ())),
        preferred_element_type=jnp.float32)
    ht_scr[...] = jax.lax.dot_general(
        x, w1[D:, :], (((1,), (0,)), ((), ())),
        preferred_element_type=jnp.float32)
    b1 = b1_ref[...]
    w2 = w2_ref[...]
    b2 = b2_ref[0, 0]
    htb_scr[...] = ht_scr[...] + b1

    BI = 64

    def jblock(jb, _):
        ht_blk = htb_scr[pl.ds(jb * 128, 128), :]

        def iblock(ib, _):
            hs_blk = hs_scr[pl.ds(ib * BI, BI), :]
            pre = hs_blk[:, None, :] + ht_blk[None, :, :]
            g = _gelu_approx(pre)
            acc = jax.lax.dot_general(
                g.reshape(BI * 128, D), w2, (((1,), (0,)), ((), ())),
                preferred_element_type=jnp.float32)
            tile = acc.reshape(BI, 128) + b2
            rowi = ib * BI + lax.broadcasted_iota(jnp.int32, (BI, 128), 0)
            colj = jb * 128 + lax.broadcasted_iota(jnp.int32, (BI, 128), 1)
            tile = jnp.where(rowi == colj, SENTINEL, tile)
            logits_ref[pl.ds(ib * BI, BI), pl.ds(jb * 128, 128)] = tile
            return 0

        lax.fori_loop(0, N // BI, iblock, 0)
        return 0

    lax.fori_loop(0, 4, jblock, 0)

    L = logits_ref[...]
    maxv = jnp.max(L)
    lo0 = jnp.min(jnp.where(L < np.float32(-1e38), np.float32(3e38), L))
    k_f = np.float32(K_EDGES)

    def cond(c):
        _, _, cnt, it = c
        return jnp.logical_and(cnt > np.float32(MAXC), it < 48)

    def body(c):
        lo, hi, cnt, it = c
        mid = (lo + hi) * np.float32(0.5)
        cmid = jnp.sum((L >= mid).astype(jnp.float32))
        ok = cmid >= k_f
        return (jnp.where(ok, mid, lo), jnp.where(ok, hi, mid),
                jnp.where(ok, cmid, cnt), it + 1)

    n_ge_lo0 = jnp.sum((L >= lo0).astype(jnp.float32))
    lo, _, _, _ = lax.while_loop(cond, body, (lo0, maxv, n_ge_lo0, 0))
    tinfo_ref[...] = jnp.full((8, 128), lo - np.float32(0.006),
                              dtype=jnp.float32)


def _score_call(x, w1, b1, w2, b2):
    return pl.pallas_call(
        _score_body,
        out_shape=(jax.ShapeDtypeStruct((N, N), jnp.float32),
                   jax.ShapeDtypeStruct((8, 128), jnp.float32),
                   jax.ShapeDtypeStruct((N, D), jnp.float32),
                   jax.ShapeDtypeStruct((N, D), jnp.float32)),
        in_specs=[
            pl.BlockSpec((N, D), lambda: (0, 0)),
            pl.BlockSpec((2 * D, D), lambda: (0, 0)),
            pl.BlockSpec((1, D), lambda: (0, 0)),
            pl.BlockSpec((D, 1), lambda: (0, 0)),
            pl.BlockSpec((1, 1), lambda: (0, 0)),
        ],
        out_specs=(pl.BlockSpec((N, N), lambda: (0, 0)),
                   pl.BlockSpec((8, 128), lambda: (0, 0)),
                   pl.BlockSpec((N, D), lambda: (0, 0)),
                   pl.BlockSpec((N, D), lambda: (0, 0))),
        scratch_shapes=[pltpu.VMEM((N, D), jnp.float32)],
    )(x, w1, b1.reshape(1, D), w2, b2.reshape(1, 1))


def _make_compact_call():
    from jax.experimental.pallas import tpu_sc as plsc

    mesh = plsc.VectorSubcoreMesh(core_axis_name="c", subcore_axis_name="s",
                                  num_cores=1)
    shard = N * N // 16
    nvreg = shard // 16

    @functools.partial(
        pl.kernel, mesh=mesh,
        compiler_params=pltpu.CompilerParams(needs_layout_passes=False),
        out_type=(jax.ShapeDtypeStruct((CAP,), jnp.float32),
                  jax.ShapeDtypeStruct((CAP,), jnp.int32)),
        scratch_types=[
            pltpu.VMEM((shard,), jnp.float32),
            pltpu.VMEM((16,), jnp.float32),
            pltpu.VMEM((CAP,), jnp.float32),
            pltpu.VMEM((CAP,), jnp.int32),
            pltpu.VMEM((16,), jnp.float32),
            pltpu.VMEM((16,), jnp.int32),
            pltpu.SMEM((1,), jnp.int32),
        ],
    )
    def compact(flat_hbm, t_hbm, outv_hbm, outi_hbm,
                shard_v, t_v, vbuf, ibuf, padv_v, padi_v, ctr):
        wid = lax.axis_index("s")
        base_elem = wid * shard

        @pl.when(wid == 0)
        def _():
            ctr[0] = 0

        padv_v[...] = jnp.full((16,), SENTINEL)
        padi_v[...] = jnp.full((16,), N * N, jnp.int32)

        def fill_body(ci, _):
            dst16 = pl.multiple_of(wid * (CAP // 16) + ci * 16, 16)
            pltpu.sync_copy(padv_v, outv_hbm.at[pl.ds(dst16, 16)])
            pltpu.sync_copy(padi_v, outi_hbm.at[pl.ds(dst16, 16)])
            return 0

        lax.fori_loop(0, CAP // 256, fill_body, 0)

        pltpu.sync_copy(flat_hbm.at[pl.ds(base_elem, shard)], shard_v)
        pltpu.sync_copy(t_hbm, t_v)
        tv = t_v[...]
        iota16 = lax.iota(jnp.int32, 16)
        one16 = jnp.full((16,), 1, jnp.int32)

        def scan_body(i, off_s):
            v = shard_v[pl.ds(pl.multiple_of(i * 16, 16), 16)]
            m = v >= tv
            mi = jnp.where(m, one16, one16 - one16)
            prefix = plsc.cumsum(mi)
            pos = (jnp.full((16,), off_s, jnp.int32) + prefix) - one16
            mg = jnp.logical_and(m, pos < jnp.full((16,), CAP, jnp.int32))
            plsc.store_scatter(vbuf, [pos], v, mask=mg)
            iv = jnp.full((16,), base_elem + i * 16, jnp.int32) + iota16
            plsc.store_scatter(ibuf, [pos], iv, mask=mg)
            return off_s + jnp.sum(mi)

        cnt_s = lax.fori_loop(0, nvreg, scan_body, jnp.int32(0))
        cnt_s = jnp.minimum(cnt_s, jnp.int32(CAP - 16))
        pad = (16 - lax.rem(cnt_s, 16)) & 15
        padmask = iota16 < jnp.full((16,), pad, jnp.int32)
        pos = jnp.full((16,), cnt_s, jnp.int32) + iota16
        plsc.store_scatter(vbuf, [pos], jnp.full((16,), SENTINEL), mask=padmask)
        plsc.store_scatter(ibuf, [pos], jnp.full((16,), N * N, jnp.int32),
                           mask=padmask)
        padded = cnt_s + pad

        plsc.subcore_barrier()
        base_s = plsc.fetch_and_add(ctr.at[0], padded, subcore_id=0)

        def wr_body(ci, _):
            off16 = pl.multiple_of(ci * 16, 16)
            dst16 = pl.multiple_of(base_s + ci * 16, 16)
            pltpu.sync_copy(vbuf.at[pl.ds(off16, 16)],
                            outv_hbm.at[pl.ds(dst16, 16)])
            pltpu.sync_copy(ibuf.at[pl.ds(off16, 16)],
                            outi_hbm.at[pl.ds(dst16, 16)])
            return 0

        n_wr = jnp.maximum(
            jnp.minimum(padded, jnp.int32(CAP) - base_s), 0) // 16
        lax.fori_loop(0, n_wr, wr_body, 0)

    return compact


def _finish_body(ci_ref, hs_ref, ht_ref, b1_ref, w2_ref, b2_ref,
                 x_ref, wp_ref, bp_ref, ei_ref, ef_ref, loss_ref):
    i2d = ci_ref[...]
    i_row = i2d.reshape(1, CAP)
    i_col = jnp.transpose(i_row)
    src_col = lax.shift_right_logical(i_col, 9)
    tgt_col = jnp.bitwise_and(i_col, (N - 1) * 1)
    iota_n = lax.broadcasted_iota(jnp.int32, (CAP, N), 1).astype(jnp.float32)
    oh_src = (src_col.astype(jnp.float32) == iota_n).astype(jnp.float32)
    oh_tgt = (tgt_col.astype(jnp.float32) == iota_n).astype(jnp.float32)
    hs_sel = jax.lax.dot_general(oh_src, hs_ref[...], (((1,), (0,)), ((), ())),
                                 precision=jax.lax.Precision.HIGHEST,
                                 preferred_element_type=jnp.float32)
    ht_sel = jax.lax.dot_general(oh_tgt, ht_ref[...], (((1,), (0,)), ((), ())),
                                 precision=jax.lax.Precision.HIGHEST,
                                 preferred_element_type=jnp.float32)
    pre_sel = (hs_sel + ht_sel) + b1_ref[...]
    g_sel = _gelu_exact(pre_sel)
    v_col = jax.lax.dot_general(g_sel, w2_ref[...], (((1,), (0,)), ((), ())),
                                preferred_element_type=jnp.float32)
    v_col = v_col + b2_ref[0, 0]
    v_col = jnp.where(i_col >= N * N, SENTINEL, v_col)
    v_row = jnp.transpose(v_col)
    better = jnp.logical_or(
        v_row > v_col,
        jnp.logical_and(v_row == v_col, i_row < i_col))
    rank_col = jnp.sum(better.astype(jnp.float32), axis=1, keepdims=True)
    iota_r = lax.broadcasted_iota(jnp.int32, (CAP, CAP), 1).astype(jnp.float32)
    P = (rank_col == iota_r).astype(jnp.float32)
    xt = jnp.concatenate([v_row,
                          jnp.transpose(src_col.astype(jnp.float32)),
                          jnp.transpose(tgt_col.astype(jnp.float32))], axis=0)
    sorted_xt = jax.lax.dot_general(
        xt, P, (((1,), (0,)), ((), ())),
        precision=jax.lax.Precision.HIGHEST,
        preferred_element_type=jnp.float32)
    ei_ref[...] = sorted_xt[1:3, :K_EDGES].astype(jnp.int32)
    probs_row = jax.nn.sigmoid(sorted_xt[0:1, :])
    x = x_ref[...]
    wp = wp_ref[...]
    ps = jax.lax.dot_general(x, wp[:D, :], (((1,), (0,)), ((), ())),
                             preferred_element_type=jnp.float32)
    pt = jax.lax.dot_general(x, wp[D:, :], (((1,), (0,)), ((), ())),
                             preferred_element_type=jnp.float32)
    srcs_col = jnp.transpose(sorted_xt[1:2, :])
    tgts_col = jnp.transpose(sorted_xt[2:3, :])
    oh_s = (srcs_col == iota_n).astype(jnp.float32)
    oh_t = (tgts_col == iota_n).astype(jnp.float32)
    g_s = jax.lax.dot_general(oh_s, ps, (((1,), (0,)), ((), ())),
                              precision=jax.lax.Precision.HIGHEST,
                              preferred_element_type=jnp.float32)
    g_t = jax.lax.dot_general(oh_t, pt, (((1,), (0,)), ((), ())),
                              precision=jax.lax.Precision.HIGHEST,
                              preferred_element_type=jnp.float32)
    pre_p = (g_s + g_t) + bp_ref[...]
    feats = _gelu_exact(pre_p) * jnp.transpose(probs_row)
    ef_ref[...] = feats[:K_EDGES, :]
    loss_ref[...] = jnp.full(
        (1, 1),
        jnp.sum(np.float32(1.0) - probs_row[:, :K_EDGES])
        * np.float32(1.0 / K_EDGES))


def _finish_call(cand_idx, hs, ht, b1, w2, b2, x, wp, bp):
    return pl.pallas_call(
        _finish_body,
        out_shape=(jax.ShapeDtypeStruct((2, K_EDGES), jnp.int32),
                   jax.ShapeDtypeStruct((K_EDGES, 16), jnp.float32),
                   jax.ShapeDtypeStruct((1, 1), jnp.float32)),
    )(cand_idx.reshape(16, 128), hs, ht, b1.reshape(1, D), w2,
      b2.reshape(1, 1), x, wp, bp.reshape(1, 16))


def kernel(node_features, W1, b1, W2, b2, Wp, bp):
    logits, tinfo, hs, ht = _score_call(node_features, W1, b1, W2, b2)
    flat = logits.reshape(-1)
    t16 = tinfo[0, :16]
    compact = _make_compact_call()
    cand_vals, cand_idx = compact(flat, t16)
    del cand_vals
    edge_index, edge_features, loss = _finish_call(
        cand_idx, hs, ht, b1, W2, b2, node_features, Wp, bp)
    return edge_index, edge_features, loss[0, 0]

# --- scband reference (transcript-rebuilt; emitter-appended) ---
"""Pipeline reference for scband-brain-constructor-4097398800874 (READ-ONLY COPY).

The authoritative reference and input builder live on the scoring server;
editing this copy changes nothing except your own understanding.
"""

import jax, jax.numpy as jnp
import numpy as np

N = 512
D = 256
D_EDGE = 16
DENSITY = 0.005


def _k_edges(n):
    k = int(DENSITY * n * (n - 1))
    return max(k, n)


def setup_inputs(seed: int = 0) -> dict:
    key = jax.random.key(seed)
    ks = jax.random.split(key, 8)
    x = jax.random.normal(ks[0], (N, D), dtype=jnp.float32)
    def lin(k1, k2, fan_in, fan_out):
        bound = 1.0 / np.sqrt(fan_in)
        W = jax.random.uniform(k1, (fan_in, fan_out), minval=-bound, maxval=bound, dtype=jnp.float32)
        b = jax.random.uniform(k2, (fan_out,), minval=-bound, maxval=bound, dtype=jnp.float32)
        return W, b
    W1, b1 = lin(ks[1], ks[2], 2 * D, D)      # edge_scorer layer 1
    W2, b2 = lin(ks[3], ks[4], D, 1)          # edge_scorer layer 2
    Wp, bp = lin(ks[5], ks[6], 2 * D, D_EDGE) # edge_projector
    return {"node_features": x, "W1": W1, "b1": b1, "W2": W2, "b2": b2, "Wp": Wp, "bp": bp}


def reference(node_features, W1, b1, W2, b2, Wp, bp):
    x = node_features
    n, d = x.shape
    k = _k_edges(n)
    # Phase 1 (no grad in original): score all N^2 pairs without materializing all_pairs.
    # Linear on concat([src, tgt]) == src @ W1[:d] + tgt @ W1[d:] + b1
    W1s, W1t = W1[:d], W1[d:]
    hs = x @ W1s
    ht = x @ W1t
    h = jax.nn.gelu(hs[:, None, :] + ht[None, :, :] + b1, approximate=False)  # [N, N, D]
    logits_all = jnp.einsum('ijd,d->ij', h, W2[:, 0]) + b2[0]
    logits_all = logits_all.at[jnp.arange(n), jnp.arange(n)].set(-jnp.inf)
    _, topk_idx = jax.lax.top_k(logits_all.reshape(-1), min(k, n * n))
    src_idx = topk_idx // n
    tgt_idx = topk_idx % n
    # Phase 2: re-score selected pairs.
    sel_src = x[src_idx]
    sel_tgt = x[tgt_idx]
    sel_pairs = jnp.concatenate([sel_src, sel_tgt], axis=-1)
    sel_h = jax.nn.gelu(sel_pairs @ W1 + b1, approximate=False)
    sel_logits = (sel_h @ W2 + b2)[:, 0]
    # Forward-only (no-grad / eval semantics): gumbel_sigmoid degenerates to sigmoid.
    probs = jax.nn.sigmoid(sel_logits)
    edge_index = jnp.stack([src_idx, tgt_idx])
    edge_features = jax.nn.gelu(sel_pairs @ Wp + bp, approximate=False)
    edge_features = edge_features * probs[:, None]
    confidence_loss = jnp.mean(1.0 - probs)
    return edge_index, edge_features, confidence_loss

if __name__ == "__main__":
    import jax
    _d = setup_inputs()
    print(jax.jit(kernel)(*tuple(_d.values())))

</pallas_src>

<mosaic_0001>
#map = affine_map<(d0, d1) -> (0)>
module attributes {stable_mosaic.version = 14 : i64} {
  func.func @compact(%arg0: i32, %arg1: i32, %arg2: memref<262144xf32, #tpu.memory_space<hbm>>, %arg3: memref<16xf32, #tpu.memory_space<hbm>>, %arg4: memref<2048xf32, #tpu.memory_space<hbm>>, %arg5: memref<2048xi32, #tpu.memory_space<hbm>>, %arg6: memref<16384xf32, #tpu.memory_space<vmem>>, %arg7: memref<16xf32, #tpu.memory_space<vmem>>, %arg8: memref<2048xf32, #tpu.memory_space<vmem>>, %arg9: memref<2048xi32, #tpu.memory_space<vmem>>, %arg10: memref<16xf32, #tpu.memory_space<vmem>>, %arg11: memref<16xi32, #tpu.memory_space<vmem>>, %arg12: memref<1xi32, #tpu.memory_space<smem>>) attributes {dimension_semantics = [#tpu.dimension_semantics<core_parallel>, #tpu.dimension_semantics<subcore_parallel>], iteration_bounds = array<i64: 1, 16>, scalar_prefetch = 0 : i64, scratch_operands = 7 : i64, tpu.core_type = #tpu.core_type<sc_vector_subcore>, window_params = [{transform_indices = #map}, {transform_indices = #map}, {transform_indices = #map}, {transform_indices = #map}]} {
    %mul3A = arith.constant 16384 : i32
    %mul3A_0 = arith.muli %arg1, %mul3A : i32
    %eq3A = arith.constant 0 : i32
    %eq3A_1 = arith.cmpi eq, %arg1, %eq3A : i32
    %convert_element_type3A = arith.extui %eq3A_1 : i1 to i32
    %cond3A = arith.constant 0 : i32
    %cond3A_2 = arith.cmpi ne, %convert_element_type3A, %cond3A : i32
    scf.if %cond3A_2 {
      %swap3A_72 = arith.constant 0 : i32
      %swap3A_73 = arith.constant 0 : i32
      %swap3A_74 = arith.index_cast %swap3A_73 : i32 to index
      %swap3A_75 = memref.load %arg12[%swap3A_74] : memref<1xi32, #tpu.memory_space<smem>>
      memref.store %swap3A_72, %arg12[%swap3A_74] : memref<1xi32, #tpu.memory_space<smem>>
    } else {
    }
    %broadcast_in_dim3A = arith.constant -3.000000e+38 : f32
    %broadcast_in_dim3A_3 = vector.broadcast %broadcast_in_dim3A : f32 to vector<16xf32>
    %swap3A = arith.constant 0 : index
    %swap3A_4 = tpu.vector_load %arg10[%swap3A] {strides = array<i32>} : memref<16xf32, #tpu.memory_space<vmem>>, vector<16xf32>,
    tpu.vector_store %arg10[%swap3A], %broadcast_in_dim3A_3 {strides = array<i32>} : memref<16xf32, #tpu.memory_space<vmem>>, vector<16xf32>,
    %broadcast_in_dim3A_5 = arith.constant 262144 : i32
    %broadcast_in_dim3A_6 = vector.broadcast %broadcast_in_dim3A_5 : i32 to vector<16xi32>
    %swap3A_7 = arith.constant 0 : index
    %swap3A_8 = tpu.vector_load %arg11[%swap3A_7] {strides = array<i32>} : memref<16xi32, #tpu.memory_space<vmem>>, vector<16xi32>,
    tpu.vector_store %arg11[%swap3A_7], %broadcast_in_dim3A_6 {strides = array<i32>} : memref<16xi32, #tpu.memory_space<vmem>>, vector<16xi32>,
    %scan3A = arith.constant 0 : i32
    %scan3A_9 = arith.constant 0 : i32
    %scan3A_10 = arith.constant 8 : i32
    %scan3A_11 = arith.addi %scan3A_9, %scan3A_10 : i32
    %scan3A_12 = arith.constant 1 : i32
    %scan3A_13 = scf.for %scan3A_72 = %scan3A_9 to %scan3A_11 step %scan3A_12 iter_args(%scan3A_73 = %scan3A) -> (i32)  : i32 {
      %mul3A_74 = arith.constant 128 : i32
      %mul3A_75 = arith.muli %arg1, %mul3A_74 : i32
      %mul3A_76 = arith.constant 16 : i32
      %mul3A_77 = arith.muli %scan3A_72, %mul3A_76 : i32
      %add3A_78 = arith.addi %mul3A_75, %mul3A_77 : i32
      %multiple_of3A = tpu.assume_multiple %add3A_78, 16 : i32
      "tpu.region"() ({
        %run_scoped3A = tpu.sem_alloc : memref<!tpu.dma_semaphore, #tpu.memory_space<semaphore_mem>>
        %dma_start3A = tpu.memref_slice %arg4[%multiple_of3A] : memref<2048xf32, #tpu.memory_space<hbm>> -> memref<16xf32, #tpu.memory_space<hbm>>
        %dma_start3A_80 = tpu.memref_slice %arg4[%multiple_of3A] : memref<2048xf32, #tpu.memory_space<hbm>> -> memref<16xf32, #tpu.memory_space<hbm>>
        tpu.enqueue_dma source(%arg10 : memref<16xf32, #tpu.memory_space<vmem>>) target(%dma_start3A_80 : memref<16xf32, #tpu.memory_space<hbm>>) target_semaphore(%run_scoped3A : memref<!tpu.dma_semaphore, #tpu.memory_space<semaphore_mem>>)
        %dma_wait3A = tpu.memref_slice %arg4[%multiple_of3A] : memref<2048xf32, #tpu.memory_space<hbm>> -> memref<16xf32, #tpu.memory_space<hbm>>
        %dma_wait3A_81 = tpu.memref_slice %arg4[%multiple_of3A] : memref<2048xf32, #tpu.memory_space<hbm>> -> memref<16xf32, #tpu.memory_space<hbm>>
        tpu.wait_dma2 semaphore(%run_scoped3A : memref<!tpu.dma_semaphore, #tpu.memory_space<semaphore_mem>>) src(%arg10 : memref<16xf32, #tpu.memory_space<vmem>>) dst(%dma_wait3A_81 : memref<16xf32, #tpu.memory_space<hbm>>)
        tpu.yield
      }) : () -> ()
      "tpu.region"() ({
        %run_scoped3A = tpu.sem_alloc : memref<!tpu.dma_semaphore, #tpu.memory_space<semaphore_mem>>
        %dma_start3A = tpu.memref_slice %arg5[%multiple_of3A] : memref<2048xi32, #tpu.memory_space<hbm>> -> memref<16xi32, #tpu.memory_space<hbm>>
        %dma_start3A_80 = tpu.memref_slice %arg5[%multiple_of3A] : memref<2048xi32, #tpu.memory_space<hbm>> -> memref<16xi32, #tpu.memory_space<hbm>>
        tpu.enqueue_dma source(%arg11 : memref<16xi32, #tpu.memory_space<vmem>>) target(%dma_start3A_80 : memref<16xi32, #tpu.memory_space<hbm>>) target_semaphore(%run_scoped3A : memref<!tpu.dma_semaphore, #tpu.memory_space<semaphore_mem>>)
        %dma_wait3A = tpu.memref_slice %arg5[%multiple_of3A] : memref<2048xi32, #tpu.memory_space<hbm>> -> memref<16xi32, #tpu.memory_space<hbm>>
        %dma_wait3A_81 = tpu.memref_slice %arg5[%multiple_of3A] : memref<2048xi32, #tpu.memory_space<hbm>> -> memref<16xi32, #tpu.memory_space<hbm>>
        tpu.wait_dma2 semaphore(%run_scoped3A : memref<!tpu.dma_semaphore, #tpu.memory_space<semaphore_mem>>) src(%arg11 : memref<16xi32, #tpu.memory_space<vmem>>) dst(%dma_wait3A_81 : memref<16xi32, #tpu.memory_space<hbm>>)
        tpu.yield
      }) : () -> ()
      %scan3A_79 = arith.constant 0 : i32
      scf.yield %scan3A_79 : i32
    }
    %scan3A_14 = arith.constant 8 : i32
    "tpu.region"() ({
      %run_scoped3A = tpu.sem_alloc : memref<!tpu.dma_semaphore, #tpu.memory_space<semaphore_mem>>
      %dma_start3A = tpu.memref_slice %arg2[%mul3A_0] : memref<262144xf32, #tpu.memory_space<hbm>> -> memref<16384xf32, #tpu.memory_space<hbm>>
      %dma_start3A_72 = tpu.memref_slice %arg2[%mul3A_0] : memref<262144xf32, #tpu.memory_space<hbm>> -> memref<16384xf32, #tpu.memory_space<hbm>>
      tpu.enqueue_dma source(%dma_start3A_72 : memref<16384xf32, #tpu.memory_space<hbm>>) target(%arg6 : memref<16384xf32, #tpu.memory_space<vmem>>) target_semaphore(%run_scoped3A : memref<!tpu.dma_semaphore, #tpu.memory_space<semaphore_mem>>)
      %dma_wait3A = tpu.memref_slice %arg2[%mul3A_0] : memref<262144xf32, #tpu.memory_space<hbm>> -> memref<16384xf32, #tpu.memory_space<hbm>>
      %dma_wait3A_73 = tpu.memref_slice %arg2[%mul3A_0] : memref<262144xf32, #tpu.memory_space<hbm>> -> memref<16384xf32, #tpu.memory_space<hbm>>
      tpu.wait_dma2 semaphore(%run_scoped3A : memref<!tpu.dma_semaphore, #tpu.memory_space<semaphore_mem>>) src(%dma_wait3A_73 : memref<16384xf32, #tpu.memory_space<hbm>>) dst(%arg6 : memref<16384xf32, #tpu.memory_space<vmem>>)
      tpu.yield
    }) : () -> ()
    "tpu.region"() ({
      %run_scoped3A = tpu.sem_alloc : memref<!tpu.dma_semaphore, #tpu.memory_space<semaphore_mem>>
      tpu.enqueue_dma source(%arg3 : memref<16xf32, #tpu.memory_space<hbm>>) target(%arg7 : memref<16xf32, #tpu.memory_space<vmem>>) target_semaphore(%run_scoped3A : memref<!tpu.dma_semaphore, #tpu.memory_space<semaphore_mem>>)
      tpu.wait_dma2 semaphore(%run_scoped3A : memref<!tpu.dma_semaphore, #tpu.memory_space<semaphore_mem>>) src(%arg3 : memref<16xf32, #tpu.memory_space<hbm>>) dst(%arg7 : memref<16xf32, #tpu.memory_space<vmem>>)
      tpu.yield
    }) : () -> ()
    %get3A = arith.constant 0 : index
    %get3A_15 = tpu.vector_load %arg7[%get3A] {strides = array<i32>} : memref<16xf32, #tpu.memory_space<vmem>>, vector<16xf32>,
    %iota3A = tpu.iota {dimensions = array<i32: 0>} : vector<16xi32>
    %broadcast_in_dim3A_16 = arith.constant 1 : i32
    %broadcast_in_dim3A_17 = vector.broadcast %broadcast_in_dim3A_16 : i32 to vector<16xi32>
    %scan3A_18 = arith.constant 0 : i32
    %scan3A_19 = arith.constant 0 : i32
    %scan3A_20 = arith.constant 1024 : i32
    %scan3A_21 = arith.addi %scan3A_19, %scan3A_20 : i32
    %scan3A_22 = arith.constant 1 : i32
    %scan3A_23 = scf.for %scan3A_72 = %scan3A_19 to %scan3A_21 step %scan3A_22 iter_args(%scan3A_73 = %scan3A_18) -> (i32)  : i32 {
      %mul3A_74 = arith.constant 16 : i32
      %mul3A_75 = arith.muli %scan3A_72, %mul3A_74 : i32
      %multiple_of3A = tpu.assume_multiple %mul3A_75, 16 : i32
      %get3A_76 = arith.index_cast %multiple_of3A : i32 to index
      %get3A_77 = tpu.vector_load %arg6[%get3A_76] {strides = array<i32>} : memref<16384xf32, #tpu.memory_space<vmem>>, vector<16xf32>,
      %ge3A = arith.cmpf oge, %get3A_77, %get3A_15 : vector<16xf32>
      %sub3A_78 = arith.subi %broadcast_in_dim3A_17, %broadcast_in_dim3A_17 : vector<16xi32>
      %select_n3A_79 = arith.select %ge3A, %broadcast_in_dim3A_17, %sub3A_78 : vector<16xi1>, vector<16xi32>
      %broadcast_in_dim3A_80 = arith.constant true
      %broadcast_in_dim3A_81 = vector.broadcast %broadcast_in_dim3A_80 : i1 to vector<16xi1>
      %masked_cumsum3A = tpu.scan <sum>, %select_n3A_79 masked %broadcast_in_dim3A_81 : vector<16xi32>, vector<16xi1> -> vector<16xi32>
      %broadcast_in_dim3A_82 = vector.broadcast %scan3A_73 : i32 to vector<16xi32>
      %add3A_83 = arith.addi %broadcast_in_dim3A_82, %masked_cumsum3A : vector<16xi32>
      %sub3A_84 = arith.subi %add3A_83, %broadcast_in_dim3A_17 : vector<16xi32>
      %broadcast_in_dim3A_85 = arith.constant 2048 : i32
      %broadcast_in_dim3A_86 = vector.broadcast %broadcast_in_dim3A_85 : i32 to vector<16xi32>
      %lt3A_87 = arith.cmpi slt, %sub3A_84, %broadcast_in_dim3A_86 : vector<16xi32>
      %and3A_88 = arith.andi %ge3A, %lt3A_87 : vector<16xi1>
      tpu.vector_store_idx %arg8[%sub3A_84], %get3A_77 masked %and3A_88 : memref<2048xf32, #tpu.memory_space<vmem>>[vector<16xi32>], vector<16xf32>, vector<16xi1>
      %mul3A_89 = arith.constant 16 : i32
      %mul3A_90 = arith.muli %scan3A_72, %mul3A_89 : i32
      %add3A_91 = arith.addi %mul3A_0, %mul3A_90 : i32
      %broadcast_in_dim3A_92 = vector.broadcast %add3A_91 : i32 to vector<16xi32>
      %add3A_93 = arith.addi %broadcast_in_dim3A_92, %iota3A : vector<16xi32>
      tpu.vector_store_idx %arg9[%sub3A_84], %add3A_93 masked %and3A_88 : memref<2048xi32, #tpu.memory_space<vmem>>[vector<16xi32>], vector<16xi32>, vector<16xi1>
      %reduce_sum3A = arith.constant true
      %reduce_sum3A_94 = vector.broadcast %reduce_sum3A : i1 to vector<16xi1>
      %reduce_sum3A_95 = tpu.scan <sum>, %select_n3A_79 masked %reduce_sum3A_94 : vector<16xi32>, vector<16xi1> -> vector<16xi32>
      %reduce_sum3A_96 = vector.extract %reduce_sum3A_95[15] : i32 from vector<16xi32>
      %add3A_97 = arith.addi %scan3A_73, %reduce_sum3A_96 : i32
      scf.yield %add3A_97 : i32
    }
    %scan3A_24 = arith.constant 1024 : i32
    %min3A = arith.constant 2032 : i32
    %min3A_25 = arith.minsi %scan3A_23, %min3A : i32
    %rem3A = arith.constant 16 : i32
    %rem3A_26 = arith.remsi %min3A_25, %rem3A : i32
    %sub3A = arith.constant 16 : i32
    %sub3A_27 = arith.subi %sub3A, %rem3A_26 : i32
    %and3A = arith.constant 15 : i32
    %and3A_28 = arith.andi %sub3A_27, %and3A : i32
    %broadcast_in_dim3A_29 = vector.broadcast %and3A_28 : i32 to vector<16xi32>
    %lt3A = arith.cmpi slt, %iota3A, %broadcast_in_dim3A_29 : vector<16xi32>
    %broadcast_in_dim3A_30 = vector.broadcast %min3A_25 : i32 to vector<16xi32>
    %add3A = arith.addi %broadcast_in_dim3A_30, %iota3A : vector<16xi32>
    %broadcast_in_dim3A_31 = arith.constant -3.000000e+38 : f32
    %broadcast_in_dim3A_32 = vector.broadcast %broadcast_in_dim3A_31 : f32 to vector<16xf32>
    tpu.vector_store_idx %arg8[%add3A], %broadcast_in_dim3A_32 masked %lt3A : memref<2048xf32, #tpu.memory_space<vmem>>[vector<16xi32>], vector<16xf32>, vector<16xi1>
    %broadcast_in_dim3A_33 = arith.constant 262144 : i32
    %broadcast_in_dim3A_34 = vector.broadcast %broadcast_in_dim3A_33 : i32 to vector<16xi32>
    tpu.vector_store_idx %arg9[%add3A], %broadcast_in_dim3A_34 masked %lt3A : memref<2048xi32, #tpu.memory_space<vmem>>[vector<16xi32>], vector<16xi32>, vector<16xi1>
    %add3A_35 = arith.addi %min3A_25, %and3A_28 : i32
    %barrier3A = arith.constant 0 : index
    tpu.barrier barrier_id(%barrier3A)
    %sc_fetch_and_add3A = arith.constant 0 : i32
    %sc_fetch_and_add3A_36 = arith.constant 0 : i32
    %sc_fetch_and_add3A_37 = tpu.fetch_and_add_sync %arg12[%sc_fetch_and_add3A], %add3A_35, %sc_fetch_and_add3A_36 : memref<1xi32, #tpu.memory_space<smem>>, i32 -> i32
    %sub3A_38 = arith.constant 2048 : i32
    %sub3A_39 = arith.subi %sub3A_38, %sc_fetch_and_add3A_37 : i32
    %min3A_40 = arith.minsi %add3A_35, %sub3A_39 : i32
    %max3A = arith.constant 0 : i32
    %max3A_41 = arith.maxsi %min3A_40, %max3A : i32
    %jit3A = arith.constant 16 : i32
    %div3A = arith.divsi %max3A_41, %jit3A : i32
    %sign3A = arith.constant 0 : i32
    %sign3A_42 = arith.cmpi sgt, %max3A_41, %sign3A : i32
    %sign3A_43 = arith.extui %sign3A_42 : i1 to i32
    %sign3A_44 = arith.constant 0 : i32
    %sign3A_45 = arith.cmpi slt, %max3A_41, %sign3A_44 : i32
    %sign3A_46 = arith.extui %sign3A_45 : i1 to i32
    %sign3A_47 = arith.subi %sign3A_43, %sign3A_46 : i32
    %sign3A_48 = arith.constant 0 : i32
    %sign3A_49 = arith.cmpi sgt, %jit3A, %sign3A_48 : i32
    %sign3A_50 = arith.extui %sign3A_49 : i1 to i32
    %sign3A_51 = arith.constant 0 : i32
    %sign3A_52 = arith.cmpi slt, %jit3A, %sign3A_51 : i32
    %sign3A_53 = arith.extui %sign3A_52 : i1 to i32
    %sign3A_54 = arith.subi %sign3A_50, %sign3A_53 : i32
    %ne3A = arith.cmpi ne, %sign3A_47, %sign3A_54 : i32
    %rem3A_55 = arith.remsi %max3A_41, %jit3A : i32
    %ne3A_56 = arith.constant 0 : i32
    %ne3A_57 = arith.cmpi ne, %rem3A_55, %ne3A_56 : i32
    %and3A_58 = arith.andi %ne3A, %ne3A_57 : i1
    %sub3A_59 = arith.constant 1 : i32
    %sub3A_60 = arith.subi %div3A, %sub3A_59 : i32
    %select_n3A = arith.select %and3A_58, %sub3A_60, %div3A : i32
    %while3A = arith.constant 0 : i32
    %while3A_61 = arith.constant 0 : i32
    %while3A_62 = arith.subi %select_n3A, %while3A : i32
    %while3A_63 = arith.addi %while3A, %while3A_62 : i32
    %while3A_64 = arith.constant 1 : i32
    %while3A_65 = arith.divsi %while3A_62, %while3A_64 : i32
    %while3A_66 = arith.muli %while3A_65, %while3A_64 : i32
    %while3A_67 = arith.addi %while3A, %while3A_66 : i32
    %while3A_68 = arith.constant 1 : i32
    %while3A_69 = scf.for %while3A_72 = %while3A to %while3A_67 step %while3A_68 iter_args(%while3A_73 = %while3A_61) -> (i32)  : i32 {
      %mul3A_74 = arith.constant 16 : i32
      %mul3A_75 = arith.muli %while3A_72, %mul3A_74 : i32
      %multiple_of3A = tpu.assume_multiple %mul3A_75, 16 : i32
      %mul3A_76 = arith.constant 16 : i32
      %mul3A_77 = arith.muli %while3A_72, %mul3A_76 : i32
      %add3A_78 = arith.addi %sc_fetch_and_add3A_37, %mul3A_77 : i32
      %multiple_of3A_79 = tpu.assume_multiple %add3A_78, 16 : i32
      "tpu.region"() ({
        %run_scoped3A = tpu.sem_alloc : memref<!tpu.dma_semaphore, #tpu.memory_space<semaphore_mem>>
        %dma_start3A = tpu.memref_slice %arg8[%multiple_of3A] : memref<2048xf32, #tpu.memory_space<vmem>> -> memref<16xf32, #tpu.memory_space<vmem>>
        %dma_start3A_81 = tpu.memref_slice %arg4[%multiple_of3A_79] : memref<2048xf32, #tpu.memory_space<hbm>> -> memref<16xf32, #tpu.memory_space<hbm>>
        %dma_start3A_82 = tpu.memref_slice %arg4[%multiple_of3A_79] : memref<2048xf32, #tpu.memory_space<hbm>> -> memref<16xf32, #tpu.memory_space<hbm>>
        %dma_start3A_83 = tpu.memref_slice %arg8[%multiple_of3A] : memref<2048xf32, #tpu.memory_space<vmem>> -> memref<16xf32, #tpu.memory_space<vmem>>
        tpu.enqueue_dma source(%dma_start3A_83 : memref<16xf32, #tpu.memory_space<vmem>>) target(%dma_start3A_82 : memref<16xf32, #tpu.memory_space<hbm>>) target_semaphore(%run_scoped3A : memref<!tpu.dma_semaphore, #tpu.memory_space<semaphore_mem>>)
        %dma_wait3A = tpu.memref_slice %arg8[%multiple_of3A] : memref<2048xf32, #tpu.memory_space<vmem>> -> memref<16xf32, #tpu.memory_space<vmem>>
        %dma_wait3A_84 = tpu.memref_slice %arg4[%multiple_of3A_79] : memref<2048xf32, #tpu.memory_space<hbm>> -> memref<16xf32, #tpu.memory_space<hbm>>
        %dma_wait3A_85 = tpu.memref_slice %arg4[%multiple_of3A_79] : memref<2048xf32, #tpu.memory_space<hbm>> -> memref<16xf32, #tpu.memory_space<hbm>>
        %dma_wait3A_86 = tpu.memref_slice %arg8[%multiple_of3A] : memref<2048xf32, #tpu.memory_space<vmem>> -> memref<16xf32, #tpu.memory_space<vmem>>
        tpu.wait_dma2 semaphore(%run_scoped3A : memref<!tpu.dma_semaphore, #tpu.memory_space<semaphore_mem>>) src(%dma_wait3A_86 : memref<16xf32, #tpu.memory_space<vmem>>) dst(%dma_wait3A_85 : memref<16xf32, #tpu.memory_space<hbm>>)
        tpu.yield
      }) : () -> ()
      "tpu.region"() ({
        %run_scoped3A = tpu.sem_alloc : memref<!tpu.dma_semaphore, #tpu.memory_space<semaphore_mem>>
        %dma_start3A = tpu.memref_slice %arg9[%multiple_of3A] : memref<2048xi32, #tpu.memory_space<vmem>> -> memref<16xi32, #tpu.memory_space<vmem>>
        %dma_start3A_81 = tpu.memref_slice %arg5[%multiple_of3A_79] : memref<2048xi32, #tpu.memory_space<hbm>> -> memref<16xi32, #tpu.memory_space<hbm>>
        %dma_start3A_82 = tpu.memref_slice %arg5[%multiple_of3A_79] : memref<2048xi32, #tpu.memory_space<hbm>> -> memref<16xi32, #tpu.memory_space<hbm>>
        %dma_start3A_83 = tpu.memref_slice %arg9[%multiple_of3A] : memref<2048xi32, #tpu.memory_space<vmem>> -> memref<16xi32, #tpu.memory_space<vmem>>
        tpu.enqueue_dma source(%dma_start3A_83 : memref<16xi32, #tpu.memory_space<vmem>>) target(%dma_start3A_82 : memref<16xi32, #tpu.memory_space<hbm>>) target_semaphore(%run_scoped3A : memref<!tpu.dma_semaphore, #tpu.memory_space<semaphore_mem>>)
        %dma_wait3A = tpu.memref_slice %arg9[%multiple_of3A] : memref<2048xi32, #tpu.memory_space<vmem>> -> memref<16xi32, #tpu.memory_space<vmem>>
        %dma_wait3A_84 = tpu.memref_slice %arg5[%multiple_of3A_79] : memref<2048xi32, #tpu.memory_space<hbm>> -> memref<16xi32, #tpu.memory_space<hbm>>
        %dma_wait3A_85 = tpu.memref_slice %arg5[%multiple_of3A_79] : memref<2048xi32, #tpu.memory_space<hbm>> -> memref<16xi32, #tpu.memory_space<hbm>>
        %dma_wait3A_86 = tpu.memref_slice %arg9[%multiple_of3A] : memref<2048xi32, #tpu.memory_space<vmem>> -> memref<16xi32, #tpu.memory_space<vmem>>
        tpu.wait_dma2 semaphore(%run_scoped3A : memref<!tpu.dma_semaphore, #tpu.memory_space<semaphore_mem>>) src(%dma_wait3A_86 : memref<16xi32, #tpu.memory_space<vmem>>) dst(%dma_wait3A_85 : memref<16xi32, #tpu.memory_space<hbm>>)
        tpu.yield
      }) : () -> ()
      %while3A_80 = arith.constant 0 : i32
      scf.yield %while3A_80 : i32
    }
    %while3A_70 = arith.constant 1 : i32
    %while3A_71 = scf.for %while3A_72 = %while3A_67 to %while3A_63 step %while3A_70 iter_args(%while3A_73 = %while3A_69) -> (i32)  : i32 {
      %mul3A_74 = arith.constant 16 : i32
      %mul3A_75 = arith.muli %while3A_72, %mul3A_74 : i32
      %multiple_of3A = tpu.assume_multiple %mul3A_75, 16 : i32
      %mul3A_76 = arith.constant 16 : i32
      %mul3A_77 = arith.muli %while3A_72, %mul3A_76 : i32
      %add3A_78 = arith.addi %sc_fetch_and_add3A_37, %mul3A_77 : i32
      %multiple_of3A_79 = tpu.assume_multiple %add3A_78, 16 : i32
      "tpu.region"() ({
        %run_scoped3A = tpu.sem_alloc : memref<!tpu.dma_semaphore, #tpu.memory_space<semaphore_mem>>
        %dma_start3A = tpu.memref_slice %arg8[%multiple_of3A] : memref<2048xf32, #tpu.memory_space<vmem>> -> memref<16xf32, #tpu.memory_space<vmem>>
        %dma_start3A_81 = tpu.memref_slice %arg4[%multiple_of3A_79] : memref<2048xf32, #tpu.memory_space<hbm>> -> memref<16xf32, #tpu.memory_space<hbm>>
        %dma_start3A_82 = tpu.memref_slice %arg4[%multiple_of3A_79] : memref<2048xf32, #tpu.memory_space<hbm>> -> memref<16xf32, #tpu.memory_space<hbm>>
        %dma_start3A_83 = tpu.memref_slice %arg8[%multiple_of3A] : memref<2048xf32, #tpu.memory_space<vmem>> -> memref<16xf32, #tpu.memory_space<vmem>>
        tpu.enqueue_dma source(%dma_start3A_83 : memref<16xf32, #tpu.memory_space<vmem>>) target(%dma_start3A_82 : memref<16xf32, #tpu.memory_space<hbm>>) target_semaphore(%run_scoped3A : memref<!tpu.dma_semaphore, #tpu.memory_space<semaphore_mem>>)
        %dma_wait3A = tpu.memref_slice %arg8[%multiple_of3A] : memref<2048xf32, #tpu.memory_space<vmem>> -> memref<16xf32, #tpu.memory_space<vmem>>
        %dma_wait3A_84 = tpu.memref_slice %arg4[%multiple_of3A_79] : memref<2048xf32, #tpu.memory_space<hbm>> -> memref<16xf32, #tpu.memory_space<hbm>>
        %dma_wait3A_85 = tpu.memref_slice %arg4[%multiple_of3A_79] : memref<2048xf32, #tpu.memory_space<hbm>> -> memref<16xf32, #tpu.memory_space<hbm>>
        %dma_wait3A_86 = tpu.memref_slice %arg8[%multiple_of3A] : memref<2048xf32, #tpu.memory_space<vmem>> -> memref<16xf32, #tpu.memory_space<vmem>>
        tpu.wait_dma2 semaphore(%run_scoped3A : memref<!tpu.dma_semaphore, #tpu.memory_space<semaphore_mem>>) src(%dma_wait3A_86 : memref<16xf32, #tpu.memory_space<vmem>>) dst(%dma_wait3A_85 : memref<16xf32, #tpu.memory_space<hbm>>)
        tpu.yield
      }) : () -> ()
      "tpu.region"() ({
        %run_scoped3A = tpu.sem_alloc : memref<!tpu.dma_semaphore, #tpu.memory_space<semaphore_mem>>
        %dma_start3A = tpu.memref_slice %arg9[%multiple_of3A] : memref<2048xi32, #tpu.memory_space<vmem>> -> memref<16xi32, #tpu.memory_space<vmem>>
        %dma_start3A_81 = tpu.memref_slice %arg5[%multiple_of3A_79] : memref<2048xi32, #tpu.memory_space<hbm>> -> memref<16xi32, #tpu.memory_space<hbm>>
        %dma_start3A_82 = tpu.memref_slice %arg5[%multiple_of3A_79] : memref<2048xi32, #tpu.memory_space<hbm>> -> memref<16xi32, #tpu.memory_space<hbm>>
        %dma_start3A_83 = tpu.memref_slice %arg9[%multiple_of3A] : memref<2048xi32, #tpu.memory_space<vmem>> -> memref<16xi32, #tpu.memory_space<vmem>>
        tpu.enqueue_dma source(%dma_start3A_83 : memref<16xi32, #tpu.memory_space<vmem>>) target(%dma_start3A_82 : memref<16xi32, #tpu.memory_space<hbm>>) target_semaphore(%run_scoped3A : memref<!tpu.dma_semaphore, #tpu.memory_space<semaphore_mem>>)
        %dma_wait3A = tpu.memref_slice %arg9[%multiple_of3A] : memref<2048xi32, #tpu.memory_space<vmem>> -> memref<16xi32, #tpu.memory_space<vmem>>
        %dma_wait3A_84 = tpu.memref_slice %arg5[%multiple_of3A_79] : memref<2048xi32, #tpu.memory_space<hbm>> -> memref<16xi32, #tpu.memory_space<hbm>>
        %dma_wait3A_85 = tpu.memref_slice %arg5[%multiple_of3A_79] : memref<2048xi32, #tpu.memory_space<hbm>> -> memref<16xi32, #tpu.memory_space<hbm>>
        %dma_wait3A_86 = tpu.memref_slice %arg9[%multiple_of3A] : memref<2048xi32, #tpu.memory_space<vmem>> -> memref<16xi32, #tpu.memory_space<vmem>>
        tpu.wait_dma2 semaphore(%run_scoped3A : memref<!tpu.dma_semaphore, #tpu.memory_space<semaphore_mem>>) src(%dma_wait3A_86 : memref<16xi32, #tpu.memory_space<vmem>>) dst(%dma_wait3A_85 : memref<16xi32, #tpu.memory_space<hbm>>)
        tpu.yield
      }) : () -> ()
      %while3A_80 = arith.constant 0 : i32
      scf.yield %while3A_80 : i32
    }
    return
  }
}

module attributes {stable_mosaic.version = 14 : i64} {
  func.func @_score_body(%arg0: memref<512x256xf32, #tpu.memory_space<vmem>>, %arg1: memref<512x256xf32, #tpu.memory_space<vmem>>, %arg2: memref<1x256xf32, #tpu.memory_space<vmem>>, %arg3: memref<256x1xf32, #tpu.memory_space<vmem>>, %arg4: memref<1x1xf32, #tpu.memory_space<vmem>>, %arg5: memref<512x512xf32, #tpu.memory_space<vmem>>, %arg6: memref<8x128xf32, #tpu.memory_space<vmem>>, %arg7: memref<512x256xf32, #tpu.memory_space<vmem>>, %arg8: memref<512x256xf32, #tpu.memory_space<vmem>>, %arg9: memref<512x256xf32, #tpu.memory_space<vmem>>) attributes {dimension_semantics = [], scalar_prefetch = 0 : i64, scratch_operands = 1 : i64, tpu.core_type = #tpu.core_type<tc>} {
    %get3A = arith.constant 0 : index
    %get3A_0 = arith.constant 0 : index
    %get3A_1 = vector.load %arg0[%get3A, %get3A_0] : memref<512x256xf32, #tpu.memory_space<vmem>>, vector<512x256xf32>
    %get3A_2 = arith.constant 0 : index
    %get3A_3 = arith.constant 0 : index
    %get3A_4 = vector.load %arg1[%get3A_2, %get3A_3] : memref<512x256xf32, #tpu.memory_space<vmem>>, vector<512x256xf32>
    %slice3A = vector.extract_strided_slice %get3A_4 {offsets = [0, 0], sizes = [256, 256], strides = [1, 1]} : vector<512x256xf32> to vector<256x256xf32>
    %dot_general3A = arith.constant dense<0.000000e+00> : vector<512x256xf32>
    %dot_general3A_5 = tpu.matmul %get3A_1, %slice3A, %dot_general3A {dimension_numbers = #tpu.dot_dimension_numbers<[1], [0], [0], [1], [0, 0, 1, 1], [], []>, transpose_lhs_hint = false} : vector<512x256xf32>, vector<256x256xf32>, vector<512x256xf32> -> vector<512x256xf32>
    %swap3A = arith.constant 0 : index
    %swap3A_6 = arith.constant 0 : index
    %swap3A_7 = vector.load %arg7[%swap3A, %swap3A_6] : memref<512x256xf32, #tpu.memory_space<vmem>>, vector<512x256xf32>
    tpu.vector_store %arg7[%swap3A, %swap3A_6], %dot_general3A_5 {strides = array<i32>} : memref<512x256xf32, #tpu.memory_space<vmem>>, vector<512x256xf32>,
    %slice3A_8 = vector.extract_strided_slice %get3A_4 {offsets = [256, 0], sizes = [256, 256], strides = [1, 1]} : vector<512x256xf32> to vector<256x256xf32>
    %dot_general3A_9 = arith.constant dense<0.000000e+00> : vector<512x256xf32>
    %dot_general3A_10 = tpu.matmul %get3A_1, %slice3A_8, %dot_general3A_9 {dimension_numbers = #tpu.dot_dimension_numbers<[1], [0], [0], [1], [0, 0, 1, 1], [], []>, transpose_lhs_hint = false} : vector<512x256xf32>, vector<256x256xf32>, vector<512x256xf32> -> vector<512x256xf32>
    %swap3A_11 = arith.constant 0 : index
    %swap3A_12 = arith.constant 0 : index
    %swap3A_13 = vector.load %arg8[%swap3A_11, %swap3A_12] : memref<512x256xf32, #tpu.memory_space<vmem>>, vector<512x256xf32>
    tpu.vector_store %arg8[%swap3A_11, %swap3A_12], %dot_general3A_10 {strides = array<i32>} : memref<512x256xf32, #tpu.memory_space<vmem>>, vector<512x256xf32>,
    %get3A_14 = arith.constant 0 : index
    %get3A_15 = arith.constant 0 : index
    %get3A_16 = vector.load %arg2[%get3A_14, %get3A_15] : memref<1x256xf32, #tpu.memory_space<vmem>>, vector<1x256xf32>
    %get3A_17 = arith.constant 0 : index
    %get3A_18 = arith.constant 0 : index
    %get3A_19 = vector.load %arg3[%get3A_17, %get3A_18] : memref<256x1xf32, #tpu.memory_space<vmem>>, vector<256x1xf32>
    %get3A_20 = arith.constant 0 : index
    %get3A_21 = arith.constant 0 : index
    %get3A_22 = vector.load %arg4[%get3A_20, %get3A_21] : memref<1x1xf32, #tpu.memory_space<vmem>>, vector<1x1xf32>
    %get3A_23 = vector.extract %get3A_22[0, 0] : f32 from vector<1x1xf32>
    %get3A_24 = arith.constant 0 : index
    %get3A_25 = arith.constant 0 : index
    %get3A_26 = vector.load %arg8[%get3A_24, %get3A_25] : memref<512x256xf32, #tpu.memory_space<vmem>>, vector<512x256xf32>
    %add3A = vector.broadcast %get3A_16 : vector<1x256xf32> to vector<512x256xf32>
    %add3A_27 = arith.addf %get3A_26, %add3A : vector<512x256xf32>
    %swap3A_28 = arith.constant 0 : index
    %swap3A_29 = arith.constant 0 : index
    %swap3A_30 = vector.load %arg9[%swap3A_28, %swap3A_29] : memref<512x256xf32, #tpu.memory_space<vmem>>, vector<512x256xf32>
    tpu.vector_store %arg9[%swap3A_28, %swap3A_29], %add3A_27 {strides = array<i32>} : memref<512x256xf32, #tpu.memory_space<vmem>>, vector<512x256xf32>,
    %scan3A = arith.constant 0 : i32
    %scan3A_31 = arith.constant 4 : i32
    %scan3A_32 = arith.addi %scan3A, %scan3A_31 : i32
    %scan3A_33 = arith.constant 1 : i32
    scf.for %scan3A_60 = %scan3A to %scan3A_32 step %scan3A_33  : i32 {
      %mul3A = arith.constant 128 : i32
      %mul3A_61 = arith.muli %scan3A_60, %mul3A : i32
      %get3A_62 = arith.index_cast %mul3A_61 : i32 to index
      %get3A_63 = arith.constant 0 : index
      %get3A_64 = vector.load %arg9[%get3A_62, %get3A_63] : memref<512x256xf32, #tpu.memory_space<vmem>>, vector<128x256xf32>
      %scan3A_65 = arith.constant 0 : i32
      %scan3A_66 = arith.constant 8 : i32
      %scan3A_67 = arith.addi %scan3A_65, %scan3A_66 : i32
      %scan3A_68 = arith.constant 1 : i32
      scf.for %scan3A_70 = %scan3A_65 to %scan3A_67 step %scan3A_68  : i32 {
        %mul3A_71 = arith.constant 64 : i32
        %mul3A_72 = arith.muli %scan3A_70, %mul3A_71 : i32
        %get3A_73 = arith.index_cast %mul3A_72 : i32 to index
        %get3A_74 = arith.constant 0 : index
        %get3A_75 = vector.load %arg7[%get3A_73, %get3A_74] : memref<512x256xf32, #tpu.memory_space<vmem>>, vector<64x256xf32>
        %broadcast_in_dim3A_76 = vector.shape_cast %get3A_75 : vector<64x256xf32> to vector<64x1x256xf32>
        %broadcast_in_dim3A_77 = vector.shape_cast %get3A_64 : vector<128x256xf32> to vector<1x128x256xf32>
        %add3A_78 = vector.broadcast %broadcast_in_dim3A_76 : vector<64x1x256xf32> to vector<64x128x256xf32>
        %add3A_79 = vector.broadcast %broadcast_in_dim3A_77 : vector<1x128x256xf32> to vector<64x128x256xf32>
        %add3A_80 = arith.addf %add3A_78, %add3A_79 : vector<64x128x256xf32>
        %mul3A_81 = arith.mulf %add3A_80, %add3A_80 : vector<64x128x256xf32>
        %mul3A_82 = arith.constant -1.33285116E-9 : f32
        %mul3A_83 = vector.broadcast %mul3A_82 : f32 to vector<64x128x256xf32>
        %mul3A_84 = arith.mulf %mul3A_81, %mul3A_83 : vector<64x128x256xf32>
        %add3A_85 = arith.constant 1.0570902E-7 : f32
        %add3A_86 = vector.broadcast %add3A_85 : f32 to vector<64x128x256xf32>
        %add3A_87 = arith.addf %mul3A_84, %add3A_86 : vector<64x128x256xf32>
        %mul3A_88 = arith.mulf %add3A_87, %mul3A_81 : vector<64x128x256xf32>
        %add3A_89 = arith.constant -3.68206724E-6 : f32
        %add3A_90 = vector.broadcast %add3A_89 : f32 to vector<64x128x256xf32>
        %add3A_91 = arith.addf %mul3A_88, %add3A_90 : vector<64x128x256xf32>
        %mul3A_92 = arith.mulf %add3A_91, %mul3A_81 : vector<64x128x256xf32>
        %add3A_93 = arith.constant 7.49733953E-5 : f32
        %add3A_94 = vector.broadcast %add3A_93 : f32 to vector<64x128x256xf32>
        %add3A_95 = arith.addf %mul3A_92, %add3A_94 : vector<64x128x256xf32>
        %mul3A_96 = arith.mulf %add3A_95, %mul3A_81 : vector<64x128x256xf32>
        %add3A_97 = arith.constant -0.00100544724 : f32
        %add3A_98 = vector.broadcast %add3A_97 : f32 to vector<64x128x256xf32>
        %add3A_99 = arith.addf %mul3A_96, %add3A_98 : vector<64x128x256xf32>
        %mul3A_100 = arith.mulf %add3A_99, %mul3A_81 : vector<64x128x256xf32>
        %add3A_101 = arith.constant 0.00949122197 : f32
        %add3A_102 = vector.broadcast %add3A_101 : f32 to vector<64x128x256xf32>
        %add3A_103 = arith.addf %mul3A_100, %add3A_102 : vector<64x128x256xf32>
        %mul3A_104 = arith.mulf %add3A_103, %mul3A_81 : vector<64x128x256xf32>
        %add3A_105 = arith.constant -0.0658309459 : f32
        %add3A_106 = vector.broadcast %add3A_105 : f32 to vector<64x128x256xf32>
        %add3A_107 = arith.addf %mul3A_104, %add3A_106 : vector<64x128x256xf32>
        %mul3A_108 = arith.mulf %add3A_107, %mul3A_81 : vector<64x128x256xf32>
        %add3A_109 = arith.constant 0.398589283 : f32
        %add3A_110 = vector.broadcast %add3A_109 : f32 to vector<64x128x256xf32>
        %add3A_111 = arith.addf %mul3A_108, %add3A_110 : vector<64x128x256xf32>
        %mul3A_112 = arith.mulf %add3A_111, %mul3A_81 : vector<64x128x256xf32>
        %add3A_113 = arith.constant 3.13903511E-5 : f32
        %add3A_114 = vector.broadcast %add3A_113 : f32 to vector<64x128x256xf32>
        %add3A_115 = arith.addf %mul3A_112, %add3A_114 : vector<64x128x256xf32>
        %mul3A_116 = arith.constant 5.000000e-01 : f32
        %mul3A_117 = vector.broadcast %mul3A_116 : f32 to vector<64x128x256xf32>
        %mul3A_118 = arith.mulf %add3A_80, %mul3A_117 : vector<64x128x256xf32>
        %add3A_119 = arith.addf %mul3A_118, %add3A_115 : vector<64x128x256xf32>
        %gt3A = arith.constant 4.000000e+00 : f32
        %gt3A_120 = vector.broadcast %gt3A : f32 to vector<64x128x256xf32>
        %gt3A_121 = arith.cmpf ogt, %add3A_80, %gt3A_120 : vector<64x128x256xf32>
        %select_n3A_122 = arith.select %gt3A_121, %add3A_80, %add3A_119 : vector<64x128x256xi1>, vector<64x128x256xf32>
        %lt3A_123 = arith.constant -4.000000e+00 : f32
        %lt3A_124 = vector.broadcast %lt3A_123 : f32 to vector<64x128x256xf32>
        %lt3A_125 = arith.cmpf olt, %add3A_80, %lt3A_124 : vector<64x128x256xf32>
        %jit3A_126 = arith.constant 0.000000e+00 : f32
        %broadcast_in_dim3A_127 = vector.broadcast %jit3A_126 : f32 to vector<64x128x256xf32>
        %select_n3A_128 = arith.select %lt3A_125, %broadcast_in_dim3A_127, %select_n3A_122 : vector<64x128x256xi1>, vector<64x128x256xf32>
        %reshape3A = vector.shape_cast %select_n3A_128 : vector<64x128x256xf32> to vector<8192x256xf32>
        %dot_general3A_129 = arith.constant dense<0.000000e+00> : vector<8192x1xf32>
        %dot_general3A_130 = tpu.matmul %reshape3A, %get3A_19, %dot_general3A_129 {dimension_numbers = #tpu.dot_dimension_numbers<[1], [0], [0], [1], [0, 0, 1, 1], [], []>, transpose_lhs_hint = false} : vector<8192x256xf32>, vector<256x1xf32>, vector<8192x1xf32> -> vector<8192x1xf32>
        %reshape3A_131 = vector.shape_cast %dot_general3A_130 : vector<8192x1xf32> to vector<64x128xf32>
        %add3A_132 = vector.broadcast %get3A_23 : f32 to vector<64x128xf32>
        %add3A_133 = arith.addf %reshape3A_131, %add3A_132 : vector<64x128xf32>
        %mul3A_134 = arith.constant 64 : i32
        %mul3A_135 = arith.muli %scan3A_70, %mul3A_134 : i32
        %iota3A = tpu.iota {dimensions = array<i32: 0>} : vector<64x128xi32>
        %add3A_136 = vector.broadcast %mul3A_135 : i32 to vector<64x128xi32>
        %add3A_137 = arith.addi %add3A_136, %iota3A : vector<64x128xi32>
        %mul3A_138 = arith.constant 128 : i32
        %mul3A_139 = arith.muli %scan3A_60, %mul3A_138 : i32
        %iota3A_140 = tpu.iota {dimensions = array<i32: 1>} : vector<64x128xi32>
        %add3A_141 = vector.broadcast %mul3A_139 : i32 to vector<64x128xi32>
        %add3A_142 = arith.addi %add3A_141, %iota3A_140 : vector<64x128xi32>
        %eq3A = arith.cmpi eq, %add3A_137, %add3A_142 : vector<64x128xi32>
        %jit3A_143 = arith.constant -3.000000e+38 : f32
        %broadcast_in_dim3A_144 = vector.broadcast %jit3A_143 : f32 to vector<64x128xf32>
        %select_n3A_145 = arith.select %eq3A, %broadcast_in_dim3A_144, %add3A_133 : vector<64x128xi1>, vector<64x128xf32>
        %mul3A_146 = arith.constant 64 : i32
        %mul3A_147 = arith.muli %scan3A_70, %mul3A_146 : i32
        %mul3A_148 = arith.constant 128 : i32
        %mul3A_149 = arith.muli %scan3A_60, %mul3A_148 : i32
        %swap3A_150 = arith.index_cast %mul3A_147 : i32 to index
        %swap3A_151 = arith.index_cast %mul3A_149 : i32 to index
        %swap3A_152 = vector.load %arg5[%swap3A_150, %swap3A_151] : memref<512x512xf32, #tpu.memory_space<vmem>>, vector<64x128xf32>
        tpu.vector_store %arg5[%swap3A_150, %swap3A_151], %select_n3A_145 {strides = array<i32>} : memref<512x512xf32, #tpu.memory_space<vmem>>, vector<64x128xf32>,
      }
      %scan3A_69 = arith.constant 8 : i32
    }
    %scan3A_34 = arith.constant 4 : i32
    %get3A_35 = arith.constant 0 : index
    %get3A_36 = arith.constant 0 : index
    %get3A_37 = vector.load %arg5[%get3A_35, %get3A_36] : memref<512x512xf32, #tpu.memory_space<vmem>>, vector<512x512xf32>
    %reduce_max3A = vector.shape_cast %get3A_37 : vector<512x512xf32> to vector<1x512x512xf32>
    %reduce_max3A_38 = arith.constant dense<0xFF800000> : vector<1xf32>
    %reduce_max3A_39 = vector.multi_reduction <maximumf>, %reduce_max3A, %reduce_max3A_38 [1, 2] : vector<1x512x512xf32> to vector<1xf32>
    %reduce_max3A_40 = vector.shape_cast %reduce_max3A_39 : vector<1xf32> to vector<1x1x1xf32>
    %reduce_max3A_41 = vector.extract %reduce_max3A_40[0, 0, 0] : f32 from vector<1x1x1xf32>
    %lt3A = arith.constant -9.99999968E+37 : f32
    %lt3A_42 = vector.broadcast %lt3A : f32 to vector<512x512xf32>
    %lt3A_43 = arith.cmpf olt, %get3A_37, %lt3A_42 : vector<512x512xf32>
    %jit3A = arith.constant 3.000000e+38 : f32
    %broadcast_in_dim3A = vector.broadcast %jit3A : f32 to vector<512x512xf32>
    %select_n3A = arith.select %lt3A_43, %broadcast_in_dim3A, %get3A_37 : vector<512x512xi1>, vector<512x512xf32>
    %reduce_min3A = vector.shape_cast %select_n3A : vector<512x512xf32> to vector<1x512x512xf32>
    %reduce_min3A_44 = arith.constant dense<0x7F800000> : vector<1xf32>
    %reduce_min3A_45 = vector.multi_reduction <minimumf>, %reduce_min3A, %reduce_min3A_44 [1, 2] : vector<1x512x512xf32> to vector<1xf32>
    %reduce_min3A_46 = vector.shape_cast %reduce_min3A_45 : vector<1xf32> to vector<1x1x1xf32>
    %reduce_min3A_47 = vector.extract %reduce_min3A_46[0, 0, 0] : f32 from vector<1x1x1xf32>
    %ge3A = vector.broadcast %reduce_min3A_47 : f32 to vector<512x512xf32>
    %ge3A_48 = arith.cmpf oge, %get3A_37, %ge3A : vector<512x512xf32>
    %convert_element_type3A = arith.extui %ge3A_48 : vector<512x512xi1> to vector<512x512xi32>
    %convert_element_type3A_49 = arith.sitofp %convert_element_type3A : vector<512x512xi32> to vector<512x512xf32>
    %reduce_sum3A = vector.shape_cast %convert_element_type3A_49 : vector<512x512xf32> to vector<1x512x512xf32>
    %reduce_sum3A_50 = arith.constant dense<0.000000e+00> : vector<1xf32>
    %reduce_sum3A_51 = vector.multi_reduction <add>, %reduce_sum3A, %reduce_sum3A_50 [1, 2] : vector<1x512x512xf32> to vector<1xf32>
    %reduce_sum3A_52 = vector.shape_cast %reduce_sum3A_51 : vector<1xf32> to vector<1x1x1xf32>
    %reduce_sum3A_53 = vector.extract %reduce_sum3A_52[0, 0, 0] : f32 from vector<1x1x1xf32>
    %while3A = arith.constant 0 : i32
    %while3A_54:4 = scf.while (%while3A_60 = %reduce_min3A_47, %while3A_61 = %reduce_max3A_41, %while3A_62 = %reduce_sum3A_53, %while3A_63 = %while3A) : (f32, f32, f32, i32) -> (f32, f32, f32, i32) {
      %gt3A = arith.constant 1.536000e+03 : f32
      %gt3A_64 = arith.cmpf ogt, %while3A_62, %gt3A : f32
      %lt3A_65 = arith.constant 48 : i32
      %lt3A_66 = arith.cmpi slt, %while3A_63, %lt3A_65 : i32
      %and3A = arith.andi %gt3A_64, %lt3A_66 : i1
      scf.condition(%and3A) %while3A_60, %while3A_61, %while3A_62, %while3A_63 : f32, f32, f32, i32
    } do {
    ^bb0(%while3A_60: f32, %while3A_61: f32, %while3A_62: f32, %while3A_63: i32):
      %add3A_64 = arith.addf %while3A_60, %while3A_61 : f32
      %mul3A = arith.constant 5.000000e-01 : f32
      %mul3A_65 = arith.mulf %add3A_64, %mul3A : f32
      %ge3A_66 = vector.broadcast %mul3A_65 : f32 to vector<512x512xf32>
      %ge3A_67 = arith.cmpf oge, %get3A_37, %ge3A_66 : vector<512x512xf32>
      %convert_element_type3A_68 = arith.extui %ge3A_67 : vector<512x512xi1> to vector<512x512xi32>
      %convert_element_type3A_69 = arith.sitofp %convert_element_type3A_68 : vector<512x512xi32> to vector<512x512xf32>
      %reduce_sum3A_70 = vector.shape_cast %convert_element_type3A_69 : vector<512x512xf32> to vector<1x512x512xf32>
      %reduce_sum3A_71 = arith.constant dense<0.000000e+00> : vector<1xf32>
      %reduce_sum3A_72 = vector.multi_reduction <add>, %reduce_sum3A_70, %reduce_sum3A_71 [1, 2] : vector<1x512x512xf32> to vector<1xf32>
      %reduce_sum3A_73 = vector.shape_cast %reduce_sum3A_72 : vector<1xf32> to vector<1x1x1xf32>
      %reduce_sum3A_74 = vector.extract %reduce_sum3A_73[0, 0, 0] : f32 from vector<1x1x1xf32>
      %ge3A_75 = arith.constant 1.308000e+03 : f32
      %ge3A_76 = arith.cmpf oge, %reduce_sum3A_74, %ge3A_75 : f32
      %select_n3A_77 = arith.select %ge3A_76, %mul3A_65, %while3A_60 : f32
      %select_n3A_78 = arith.select %ge3A_76, %while3A_61, %mul3A_65 : f32
      %select_n3A_79 = arith.select %ge3A_76, %reduce_sum3A_74, %while3A_62 : f32
      %add3A_80 = arith.constant 1 : i32
      %add3A_81 = arith.addi %while3A_63, %add3A_80 : i32
      scf.yield %select_n3A_77, %select_n3A_78, %select_n3A_79, %add3A_81 : f32, f32, f32, i32
    }
    %sub3A = arith.constant 6.000000e-03 : f32
    %sub3A_55 = arith.subf %while3A_54#0, %sub3A : f32
    %broadcast_in_dim3A_56 = vector.broadcast %sub3A_55 : f32 to vector<8x128xf32>
    %swap3A_57 = arith.constant 0 : index
    %swap3A_58 = arith.constant 0 : index
    %swap3A_59 = vector.load %arg6[%swap3A_57, %swap3A_58] : memref<8x128xf32, #tpu.memory_space<vmem>>, vector<8x128xf32>
    tpu.vector_store %arg6[%swap3A_57, %swap3A_58], %broadcast_in_dim3A_56 {strides = array<i32>} : memref<8x128xf32, #tpu.memory_space<vmem>>, vector<8x128xf32>,
    return
  }
}

module attributes {stable_mosaic.version = 14 : i64} {
  func.func @_finish_body(%arg0: memref<16x128xi32, #tpu.memory_space<vmem>>, %arg1: memref<512x256xf32, #tpu.memory_space<vmem>>, %arg2: memref<512x256xf32, #tpu.memory_space<vmem>>, %arg3: memref<1x256xf32, #tpu.memory_space<vmem>>, %arg4: memref<256x1xf32, #tpu.memory_space<vmem>>, %arg5: memref<1x1xf32, #tpu.memory_space<vmem>>, %arg6: memref<512x256xf32, #tpu.memory_space<vmem>>, %arg7: memref<512x16xf32, #tpu.memory_space<vmem>>, %arg8: memref<1x16xf32, #tpu.memory_space<vmem>>, %arg9: memref<2x1308xi32, #tpu.memory_space<vmem>>, %arg10: memref<1308x16xf32, #tpu.memory_space<vmem>>, %arg11: memref<1x1xf32, #tpu.memory_space<vmem>>) attributes {dimension_semantics = [], scalar_prefetch = 0 : i64, scratch_operands = 0 : i64, tpu.core_type = #tpu.core_type<tc>} {
    %get3A = arith.constant 0 : index
    %get3A_0 = arith.constant 0 : index
    %get3A_1 = vector.load %arg0[%get3A, %get3A_0] : memref<16x128xi32, #tpu.memory_space<vmem>>, vector<16x128xi32>
    %reshape3A = vector.shape_cast %get3A_1 : vector<16x128xi32> to vector<1x2048xi32>
    %transpose3A = tpu.transpose %reshape3A, [1, 0] : vector<1x2048xi32> -> vector<2048x1xi32>
    %shift_right_logical3A = arith.constant 9 : i32
    %shift_right_logical3A_2 = vector.broadcast %shift_right_logical3A : i32 to vector<2048x1xi32>
    %shift_right_logical3A_3 = arith.shrui %transpose3A, %shift_right_logical3A_2 : vector<2048x1xi32>
    %and3A = arith.constant 511 : i32
    %and3A_4 = vector.broadcast %and3A : i32 to vector<2048x1xi32>
    %and3A_5 = arith.andi %transpose3A, %and3A_4 : vector<2048x1xi32>
    %iota3A = tpu.iota {dimensions = array<i32: 1>} : vector<2048x512xi32>
    %convert_element_type3A = arith.sitofp %iota3A : vector<2048x512xi32> to vector<2048x512xf32>
    %convert_element_type3A_6 = arith.sitofp %shift_right_logical3A_3 : vector<2048x1xi32> to vector<2048x1xf32>
    %eq3A = vector.broadcast %convert_element_type3A_6 : vector<2048x1xf32> to vector<2048x512xf32>
    %eq3A_7 = arith.cmpf oeq, %eq3A, %convert_element_type3A : vector<2048x512xf32>
    %convert_element_type3A_8 = arith.extui %eq3A_7 : vector<2048x512xi1> to vector<2048x512xi32>
    %convert_element_type3A_9 = arith.sitofp %convert_element_type3A_8 : vector<2048x512xi32> to vector<2048x512xf32>
    %convert_element_type3A_10 = arith.sitofp %and3A_5 : vector<2048x1xi32> to vector<2048x1xf32>
    %eq3A_11 = vector.broadcast %convert_element_type3A_10 : vector<2048x1xf32> to vector<2048x512xf32>
    %eq3A_12 = arith.cmpf oeq, %eq3A_11, %convert_element_type3A : vector<2048x512xf32>
    %convert_element_type3A_13 = arith.extui %eq3A_12 : vector<2048x512xi1> to vector<2048x512xi32>
    %convert_element_type3A_14 = arith.sitofp %convert_element_type3A_13 : vector<2048x512xi32> to vector<2048x512xf32>
    %get3A_15 = arith.constant 0 : index
    %get3A_16 = arith.constant 0 : index
    %get3A_17 = vector.load %arg1[%get3A_15, %get3A_16] : memref<512x256xf32, #tpu.memory_space<vmem>>, vector<512x256xf32>
    %dot_general3A = arith.constant dense<0.000000e+00> : vector<2048x256xf32>
    %dot_general3A_18 = tpu.matmul %convert_element_type3A_9, %get3A_17, %dot_general3A {dimension_numbers = #tpu.dot_dimension_numbers<[1], [0], [0], [1], [0, 0, 1, 1], [], []>, precision = #tpu.contract_precision<fp32>, transpose_lhs_hint = false} : vector<2048x512xf32>, vector<512x256xf32>, vector<2048x256xf32> -> vector<2048x256xf32>
    %get3A_19 = arith.constant 0 : index
    %get3A_20 = arith.constant 0 : index
    %get3A_21 = vector.load %arg2[%get3A_19, %get3A_20] : memref<512x256xf32, #tpu.memory_space<vmem>>, vector<512x256xf32>
    %dot_general3A_22 = arith.constant dense<0.000000e+00> : vector<2048x256xf32>
    %dot_general3A_23 = tpu.matmul %convert_element_type3A_14, %get3A_21, %dot_general3A_22 {dimension_numbers = #tpu.dot_dimension_numbers<[1], [0], [0], [1], [0, 0, 1, 1], [], []>, precision = #tpu.contract_precision<fp32>, transpose_lhs_hint = false} : vector<2048x512xf32>, vector<512x256xf32>, vector<2048x256xf32> -> vector<2048x256xf32>
    %add3A = arith.addf %dot_general3A_18, %dot_general3A_23 : vector<2048x256xf32>
    %get3A_24 = arith.constant 0 : index
    %get3A_25 = arith.constant 0 : index
    %get3A_26 = vector.load %arg3[%get3A_24, %get3A_25] : memref<1x256xf32, #tpu.memory_space<vmem>>, vector<1x256xf32>
    %add3A_27 = vector.broadcast %get3A_26 : vector<1x256xf32> to vector<2048x256xf32>
    %add3A_28 = arith.addf %add3A, %add3A_27 : vector<2048x256xf32>
    %mul3A = arith.constant 5.000000e-01 : f32
    %mul3A_29 = vector.broadcast %mul3A : f32 to vector<2048x256xf32>
    %mul3A_30 = arith.mulf %add3A_28, %mul3A_29 : vector<2048x256xf32>
    %neg3A = arith.constant 0.000000e+00 : f32
    %neg3A_31 = vector.broadcast %neg3A : f32 to vector<2048x256xf32>
    %neg3A_32 = arith.subf %neg3A_31, %add3A_28 : vector<2048x256xf32>
    %mul3A_33 = arith.constant 0.707106769 : f32
    %mul3A_34 = vector.broadcast %mul3A_33 : f32 to vector<2048x256xf32>
    %mul3A_35 = arith.mulf %neg3A_32, %mul3A_34 : vector<2048x256xf32>
    %abs3A = math.absf %mul3A_35 : vector<2048x256xf32>
    %lt3A = arith.constant 1.000000e+00 : f32
    %lt3A_36 = vector.broadcast %lt3A : f32 to vector<2048x256xf32>
    %lt3A_37 = arith.cmpf olt, %abs3A, %lt3A_36 : vector<2048x256xf32>
    %mul3A_38 = arith.mulf %mul3A_35, %mul3A_35 : vector<2048x256xf32>
    %mul3A_39 = arith.constant 7.85386146E-5 : f32
    %mul3A_40 = vector.broadcast %mul3A_39 : f32 to vector<2048x256xf32>
    %mul3A_41 = arith.mulf %mul3A_38, %mul3A_40 : vector<2048x256xf32>
    %add3A_42 = arith.constant -8.0101937E-4 : f32
    %add3A_43 = vector.broadcast %add3A_42 : f32 to vector<2048x256xf32>
    %add3A_44 = arith.addf %mul3A_41, %add3A_43 : vector<2048x256xf32>
    %mul3A_45 = arith.mulf %add3A_44, %mul3A_38 : vector<2048x256xf32>
    %add3A_46 = arith.constant 0.00518832775 : f32
    %add3A_47 = vector.broadcast %add3A_46 : f32 to vector<2048x256xf32>
    %add3A_48 = arith.addf %mul3A_45, %add3A_47 : vector<2048x256xf32>
    %mul3A_49 = arith.mulf %add3A_48, %mul3A_38 : vector<2048x256xf32>
    %add3A_50 = arith.constant -0.0268538129 : f32
    %add3A_51 = vector.broadcast %add3A_50 : f32 to vector<2048x256xf32>
    %add3A_52 = arith.addf %mul3A_49, %add3A_51 : vector<2048x256xf32>
    %mul3A_53 = arith.mulf %add3A_52, %mul3A_38 : vector<2048x256xf32>
    %add3A_54 = arith.constant 0.112835854 : f32
    %add3A_55 = vector.broadcast %add3A_54 : f32 to vector<2048x256xf32>
    %add3A_56 = arith.addf %mul3A_53, %add3A_55 : vector<2048x256xf32>
    %mul3A_57 = arith.mulf %add3A_56, %mul3A_38 : vector<2048x256xf32>
    %add3A_58 = arith.constant -0.37612626 : f32
    %add3A_59 = vector.broadcast %add3A_58 : f32 to vector<2048x256xf32>
    %add3A_60 = arith.addf %mul3A_57, %add3A_59 : vector<2048x256xf32>
    %mul3A_61 = arith.mulf %add3A_60, %mul3A_38 : vector<2048x256xf32>
    %add3A_62 = arith.constant 1.12837911 : f32
    %add3A_63 = vector.broadcast %add3A_62 : f32 to vector<2048x256xf32>
    %add3A_64 = arith.addf %mul3A_61, %add3A_63 : vector<2048x256xf32>
    %mul3A_65 = arith.mulf %mul3A_35, %add3A_64 : vector<2048x256xf32>
    %sub3A = arith.constant 1.000000e+00 : f32
    %sub3A_66 = vector.broadcast %sub3A : f32 to vector<2048x256xf32>
    %sub3A_67 = arith.subf %sub3A_66, %mul3A_65 : vector<2048x256xf32>
    %div3A = arith.constant 1.000000e+00 : f32
    %div3A_68 = vector.broadcast %div3A : f32 to vector<2048x256xf32>
    %div3A_69 = arith.divf %div3A_68, %mul3A_38 : vector<2048x256xf32>
    %mul3A_70 = arith.constant 2.326820e-02 : f32
    %mul3A_71 = vector.broadcast %mul3A_70 : f32 to vector<2048x256xf32>
    %mul3A_72 = arith.mulf %div3A_69, %mul3A_71 : vector<2048x256xf32>
    %add3A_73 = arith.constant -0.138703942 : f32
    %add3A_74 = vector.broadcast %add3A_73 : f32 to vector<2048x256xf32>
    %add3A_75 = arith.addf %mul3A_72, %add3A_74 : vector<2048x256xf32>
    %mul3A_76 = arith.mulf %add3A_75, %div3A_69 : vector<2048x256xf32>
    %add3A_77 = arith.constant 0.368742466 : f32
    %add3A_78 = vector.broadcast %add3A_77 : f32 to vector<2048x256xf32>
    %add3A_79 = arith.addf %mul3A_76, %add3A_78 : vector<2048x256xf32>
    %mul3A_80 = arith.mulf %add3A_79, %div3A_69 : vector<2048x256xf32>
    %add3A_81 = arith.constant -0.582473278 : f32
    %add3A_82 = vector.broadcast %add3A_81 : f32 to vector<2048x256xf32>
    %add3A_83 = arith.addf %mul3A_80, %add3A_82 : vector<2048x256xf32>
    %mul3A_84 = arith.mulf %add3A_83, %div3A_69 : vector<2048x256xf32>
    %add3A_85 = arith.constant 0.621000468 : f32
    %add3A_86 = vector.broadcast %add3A_85 : f32 to vector<2048x256xf32>
    %add3A_87 = arith.addf %mul3A_84, %add3A_86 : vector<2048x256xf32>
    %mul3A_88 = arith.mulf %add3A_87, %div3A_69 : vector<2048x256xf32>
    %add3A_89 = arith.constant -0.494451523 : f32
    %add3A_90 = vector.broadcast %add3A_89 : f32 to vector<2048x256xf32>
    %add3A_91 = arith.addf %mul3A_88, %add3A_90 : vector<2048x256xf32>
    %mul3A_92 = arith.mulf %add3A_91, %div3A_69 : vector<2048x256xf32>
    %add3A_93 = arith.constant 3.404880e-01 : f32
    %add3A_94 = vector.broadcast %add3A_93 : f32 to vector<2048x256xf32>
    %add3A_95 = arith.addf %mul3A_92, %add3A_94 : vector<2048x256xf32>
    %mul3A_96 = arith.mulf %add3A_95, %div3A_69 : vector<2048x256xf32>
    %add3A_97 = arith.constant -0.274112701 : f32
    %add3A_98 = vector.broadcast %add3A_97 : f32 to vector<2048x256xf32>
    %add3A_99 = arith.addf %mul3A_96, %add3A_98 : vector<2048x256xf32>
    %mul3A_100 = arith.mulf %add3A_99, %div3A_69 : vector<2048x256xf32>
    %add3A_101 = arith.constant 0.563825965 : f32
    %add3A_102 = vector.broadcast %add3A_101 : f32 to vector<2048x256xf32>
    %add3A_103 = arith.addf %mul3A_100, %add3A_102 : vector<2048x256xf32>
    %mul3A_104 = arith.constant -10.477664 : f32
    %mul3A_105 = vector.broadcast %mul3A_104 : f32 to vector<2048x256xf32>
    %mul3A_106 = arith.mulf %div3A_69, %mul3A_105 : vector<2048x256xf32>
    %add3A_107 = arith.constant 1.297720e+01 : f32
    %add3A_108 = vector.broadcast %add3A_107 : f32 to vector<2048x256xf32>
    %add3A_109 = arith.addf %mul3A_106, %add3A_108 : vector<2048x256xf32>
    %mul3A_110 = arith.mulf %add3A_109, %div3A_69 : vector<2048x256xf32>
    %add3A_111 = arith.constant -7.49551868 : f32
    %add3A_112 = vector.broadcast %add3A_111 : f32 to vector<2048x256xf32>
    %add3A_113 = arith.addf %mul3A_110, %add3A_112 : vector<2048x256xf32>
    %mul3A_114 = arith.mulf %add3A_113, %div3A_69 : vector<2048x256xf32>
    %add3A_115 = arith.constant 2.92101908 : f32
    %add3A_116 = vector.broadcast %add3A_115 : f32 to vector<2048x256xf32>
    %add3A_117 = arith.addf %mul3A_114, %add3A_116 : vector<2048x256xf32>
    %mul3A_118 = arith.mulf %add3A_117, %div3A_69 : vector<2048x256xf32>
    %add3A_119 = arith.constant -1.01526523 : f32
    %add3A_120 = vector.broadcast %add3A_119 : f32 to vector<2048x256xf32>
    %add3A_121 = arith.addf %mul3A_118, %add3A_120 : vector<2048x256xf32>
    %mul3A_122 = arith.mulf %add3A_121, %div3A_69 : vector<2048x256xf32>
    %add3A_123 = arith.constant 0.42184633 : f32
    %add3A_124 = vector.broadcast %add3A_123 : f32 to vector<2048x256xf32>
    %add3A_125 = arith.addf %mul3A_122, %add3A_124 : vector<2048x256xf32>
    %mul3A_126 = arith.mulf %add3A_125, %div3A_69 : vector<2048x256xf32>
    %add3A_127 = arith.constant -0.282076746 : f32
    %add3A_128 = vector.broadcast %add3A_127 : f32 to vector<2048x256xf32>
    %add3A_129 = arith.addf %mul3A_126, %add3A_128 : vector<2048x256xf32>
    %mul3A_130 = arith.mulf %add3A_129, %div3A_69 : vector<2048x256xf32>
    %add3A_131 = arith.constant 0.564189494 : f32
    %add3A_132 = vector.broadcast %add3A_131 : f32 to vector<2048x256xf32>
    %add3A_133 = arith.addf %mul3A_130, %add3A_132 : vector<2048x256xf32>
    %lt3A_134 = arith.constant 2.000000e+00 : f32
    %lt3A_135 = vector.broadcast %lt3A_134 : f32 to vector<2048x256xf32>
    %lt3A_136 = arith.cmpf olt, %abs3A, %lt3A_135 : vector<2048x256xf32>
    %select_n3A = arith.select %lt3A_136, %add3A_103, %add3A_133 : vector<2048x256xi1>, vector<2048x256xf32>
    %neg3A_137 = arith.constant 0.000000e+00 : f32
    %neg3A_138 = vector.broadcast %neg3A_137 : f32 to vector<2048x256xf32>
    %neg3A_139 = arith.subf %neg3A_138, %mul3A_38 : vector<2048x256xf32>
    %exp3A = math.exp %neg3A_139 : vector<2048x256xf32>
    %div3A_140 = arith.constant 1.000000e+00 : f32
    %div3A_141 = vector.broadcast %div3A_140 : f32 to vector<2048x256xf32>
    %div3A_142 = arith.divf %div3A_141, %abs3A : vector<2048x256xf32>
    %mul3A_143 = arith.mulf %exp3A, %div3A_142 : vector<2048x256xf32>
    %mul3A_144 = arith.mulf %mul3A_143, %select_n3A : vector<2048x256xf32>
    %lt3A_145 = arith.constant -88.7228394 : f32
    %lt3A_146 = vector.broadcast %lt3A_145 : f32 to vector<2048x256xf32>
    %lt3A_147 = arith.cmpf olt, %neg3A_139, %lt3A_146 : vector<2048x256xf32>
    %jit3A = arith.constant 0.000000e+00 : f32
    %broadcast_in_dim3A = vector.broadcast %jit3A : f32 to vector<2048x256xf32>
    %select_n3A_148 = arith.select %lt3A_147, %broadcast_in_dim3A, %mul3A_144 : vector<2048x256xi1>, vector<2048x256xf32>
    %lt3A_149 = arith.constant 0.000000e+00 : f32
    %lt3A_150 = vector.broadcast %lt3A_149 : f32 to vector<2048x256xf32>
    %lt3A_151 = arith.cmpf olt, %mul3A_35, %lt3A_150 : vector<2048x256xf32>
    %sub3A_152 = arith.constant 2.000000e+00 : f32
    %sub3A_153 = vector.broadcast %sub3A_152 : f32 to vector<2048x256xf32>
    %sub3A_154 = arith.subf %sub3A_153, %select_n3A_148 : vector<2048x256xf32>
    %select_n3A_155 = arith.select %lt3A_151, %sub3A_154, %select_n3A_148 : vector<2048x256xi1>, vector<2048x256xf32>
    %select_n3A_156 = arith.select %lt3A_37, %sub3A_67, %select_n3A_155 : vector<2048x256xi1>, vector<2048x256xf32>
    %mul3A_157 = arith.mulf %mul3A_30, %select_n3A_156 : vector<2048x256xf32>
    %get3A_158 = arith.constant 0 : index
    %get3A_159 = arith.constant 0 : index
    %get3A_160 = vector.load %arg4[%get3A_158, %get3A_159] : memref<256x1xf32, #tpu.memory_space<vmem>>, vector<256x1xf32>
    %dot_general3A_161 = arith.constant dense<0.000000e+00> : vector<2048x1xf32>
    %dot_general3A_162 = tpu.matmul %mul3A_157, %get3A_160, %dot_general3A_161 {dimension_numbers = #tpu.dot_dimension_numbers<[1], [0], [0], [1], [0, 0, 1, 1], [], []>, transpose_lhs_hint = false} : vector<2048x256xf32>, vector<256x1xf32>, vector<2048x1xf32> -> vector<2048x1xf32>
    %get3A_163 = arith.constant 0 : index
    %get3A_164 = arith.constant 0 : index
    %get3A_165 = vector.load %arg5[%get3A_163, %get3A_164] : memref<1x1xf32, #tpu.memory_space<vmem>>, vector<1x1xf32>
    %get3A_166 = vector.extract %get3A_165[0, 0] : f32 from vector<1x1xf32>
    %add3A_167 = vector.broadcast %get3A_166 : f32 to vector<2048x1xf32>
    %add3A_168 = arith.addf %dot_general3A_162, %add3A_167 : vector<2048x1xf32>
    %ge3A = arith.constant 262144 : i32
    %ge3A_169 = vector.broadcast %ge3A : i32 to vector<2048x1xi32>
    %ge3A_170 = arith.cmpi sge, %transpose3A, %ge3A_169 : vector<2048x1xi32>
    %jit3A_171 = arith.constant -3.000000e+38 : f32
    %broadcast_in_dim3A_172 = vector.broadcast %jit3A_171 : f32 to vector<2048x1xf32>
    %select_n3A_173 = arith.select %ge3A_170, %broadcast_in_dim3A_172, %add3A_168 : vector<2048x1xi1>, vector<2048x1xf32>
    %transpose3A_174 = tpu.transpose %select_n3A_173, [1, 0] : vector<2048x1xf32> -> vector<1x2048xf32>
    %gt3A = vector.broadcast %transpose3A_174 : vector<1x2048xf32> to vector<2048x2048xf32>
    %gt3A_175 = vector.broadcast %select_n3A_173 : vector<2048x1xf32> to vector<2048x2048xf32>
    %gt3A_176 = arith.cmpf ogt, %gt3A, %gt3A_175 : vector<2048x2048xf32>
    %eq3A_177 = vector.broadcast %transpose3A_174 : vector<1x2048xf32> to vector<2048x2048xf32>
    %eq3A_178 = vector.broadcast %select_n3A_173 : vector<2048x1xf32> to vector<2048x2048xf32>
    %eq3A_179 = arith.cmpf oeq, %eq3A_177, %eq3A_178 : vector<2048x2048xf32>
    %lt3A_180 = vector.broadcast %reshape3A : vector<1x2048xi32> to vector<2048x2048xi32>
    %lt3A_181 = vector.broadcast %transpose3A : vector<2048x1xi32> to vector<2048x2048xi32>
    %lt3A_182 = arith.cmpi slt, %lt3A_180, %lt3A_181 : vector<2048x2048xi32>
    %and3A_183 = arith.andi %eq3A_179, %lt3A_182 : vector<2048x2048xi1>
    %or3A = arith.ori %gt3A_176, %and3A_183 : vector<2048x2048xi1>
    %convert_element_type3A_184 = arith.extui %or3A : vector<2048x2048xi1> to vector<2048x2048xi32>
    %convert_element_type3A_185 = arith.sitofp %convert_element_type3A_184 : vector<2048x2048xi32> to vector<2048x2048xf32>
    %reduce_sum3A = arith.constant dense<0.000000e+00> : vector<2048xf32>
    %reduce_sum3A_186 = vector.multi_reduction <add>, %convert_element_type3A_185, %reduce_sum3A [1] : vector<2048x2048xf32> to vector<2048xf32>
    %broadcast_in_dim3A_187 = vector.shape_cast %reduce_sum3A_186 : vector<2048xf32> to vector<2048x1xf32>
    %iota3A_188 = tpu.iota {dimensions = array<i32: 1>} : vector<2048x2048xi32>
    %convert_element_type3A_189 = arith.sitofp %iota3A_188 : vector<2048x2048xi32> to vector<2048x2048xf32>
    %eq3A_190 = vector.broadcast %broadcast_in_dim3A_187 : vector<2048x1xf32> to vector<2048x2048xf32>
    %eq3A_191 = arith.cmpf oeq, %eq3A_190, %convert_element_type3A_189 : vector<2048x2048xf32>
    %convert_element_type3A_192 = arith.extui %eq3A_191 : vector<2048x2048xi1> to vector<2048x2048xi32>
    %convert_element_type3A_193 = arith.sitofp %convert_element_type3A_192 : vector<2048x2048xi32> to vector<2048x2048xf32>
    %convert_element_type3A_194 = arith.sitofp %shift_right_logical3A_3 : vector<2048x1xi32> to vector<2048x1xf32>
    %transpose3A_195 = tpu.transpose %convert_element_type3A_194, [1, 0] : vector<2048x1xf32> -> vector<1x2048xf32>
    %convert_element_type3A_196 = arith.sitofp %and3A_5 : vector<2048x1xi32> to vector<2048x1xf32>
    %transpose3A_197 = tpu.transpose %convert_element_type3A_196, [1, 0] : vector<2048x1xf32> -> vector<1x2048xf32>
    %concatenate3A = tpu.concatenate %transpose3A_174, %transpose3A_195, %transpose3A_197 in 0 : vector<1x2048xf32>, vector<1x2048xf32>, vector<1x2048xf32> -> vector<3x2048xf32>
    %dot_general3A_198 = arith.constant dense<0.000000e+00> : vector<3x2048xf32>
    %dot_general3A_199 = tpu.matmul %concatenate3A, %convert_element_type3A_193, %dot_general3A_198 {dimension_numbers = #tpu.dot_dimension_numbers<[1], [0], [0], [1], [0, 0, 1, 1], [], []>, precision = #tpu.contract_precision<fp32>, transpose_lhs_hint = false} : vector<3x2048xf32>, vector<2048x2048xf32>, vector<3x2048xf32> -> vector<3x2048xf32>
    %slice3A = vector.extract_strided_slice %dot_general3A_199 {offsets = [1, 0], sizes = [2, 1308], strides = [1, 1]} : vector<3x2048xf32> to vector<2x1308xf32>
    %convert_element_type3A_200 = arith.fptosi %slice3A : vector<2x1308xf32> to vector<2x1308xi32>
    %swap3A = arith.constant 0 : index
    %swap3A_201 = arith.constant 0 : index
    %swap3A_202 = vector.load %arg9[%swap3A, %swap3A_201] : memref<2x1308xi32, #tpu.memory_space<vmem>>, vector<2x1308xi32>
    tpu.vector_store %arg9[%swap3A, %swap3A_201], %convert_element_type3A_200 {strides = array<i32>} : memref<2x1308xi32, #tpu.memory_space<vmem>>, vector<2x1308xi32>,
    %slice3A_203 = vector.extract_strided_slice %dot_general3A_199 {offsets = [0, 0], sizes = [1, 2048], strides = [1, 1]} : vector<3x2048xf32> to vector<1x2048xf32>
    %logistic3A = arith.negf %slice3A_203 : vector<1x2048xf32>
    %logistic3A_204 = math.exp %logistic3A : vector<1x2048xf32>
    %logistic3A_205 = arith.constant 1.000000e+00 : f32
    %logistic3A_206 = vector.broadcast %logistic3A_205 : f32 to vector<1x2048xf32>
    %logistic3A_207 = arith.addf %logistic3A_206, %logistic3A_204 : vector<1x2048xf32>
    %logistic3A_208 = arith.divf %logistic3A_206, %logistic3A_207 : vector<1x2048xf32>
    %get3A_209 = arith.constant 0 : index
    %get3A_210 = arith.constant 0 : index
    %get3A_211 = vector.load %arg6[%get3A_209, %get3A_210] : memref<512x256xf32, #tpu.memory_space<vmem>>, vector<512x256xf32>
    %get3A_212 = arith.constant 0 : index
    %get3A_213 = arith.constant 0 : index
    %get3A_214 = vector.load %arg7[%get3A_212, %get3A_213] : memref<512x16xf32, #tpu.memory_space<vmem>>, vector<512x16xf32>
    %slice3A_215 = vector.extract_strided_slice %get3A_214 {offsets = [0, 0], sizes = [256, 16], strides = [1, 1]} : vector<512x16xf32> to vector<256x16xf32>
    %dot_general3A_216 = arith.constant dense<0.000000e+00> : vector<512x16xf32>
    %dot_general3A_217 = tpu.matmul %get3A_211, %slice3A_215, %dot_general3A_216 {dimension_numbers = #tpu.dot_dimension_numbers<[1], [0], [0], [1], [0, 0, 1, 1], [], []>, transpose_lhs_hint = false} : vector<512x256xf32>, vector<256x16xf32>, vector<512x16xf32> -> vector<512x16xf32>
    %slice3A_218 = vector.extract_strided_slice %get3A_214 {offsets = [256, 0], sizes = [256, 16], strides = [1, 1]} : vector<512x16xf32> to vector<256x16xf32>
    %dot_general3A_219 = arith.constant dense<0.000000e+00> : vector<512x16xf32>
    %dot_general3A_220 = tpu.matmul %get3A_211, %slice3A_218, %dot_general3A_219 {dimension_numbers = #tpu.dot_dimension_numbers<[1], [0], [0], [1], [0, 0, 1, 1], [], []>, transpose_lhs_hint = false} : vector<512x256xf32>, vector<256x16xf32>, vector<512x16xf32> -> vector<512x16xf32>
    %slice3A_221 = vector.extract_strided_slice %dot_general3A_199 {offsets = [1, 0], sizes = [1, 2048], strides = [1, 1]} : vector<3x2048xf32> to vector<1x2048xf32>
    %transpose3A_222 = tpu.transpose %slice3A_221, [1, 0] : vector<1x2048xf32> -> vector<2048x1xf32>
    %slice3A_223 = vector.extract_strided_slice %dot_general3A_199 {offsets = [2, 0], sizes = [1, 2048], strides = [1, 1]} : vector<3x2048xf32> to vector<1x2048xf32>
    %transpose3A_224 = tpu.transpose %slice3A_223, [1, 0] : vector<1x2048xf32> -> vector<2048x1xf32>
    %eq3A_225 = vector.broadcast %transpose3A_222 : vector<2048x1xf32> to vector<2048x512xf32>
    %eq3A_226 = arith.cmpf oeq, %eq3A_225, %convert_element_type3A : vector<2048x512xf32>
    %convert_element_type3A_227 = arith.extui %eq3A_226 : vector<2048x512xi1> to vector<2048x512xi32>
    %convert_element_type3A_228 = arith.sitofp %convert_element_type3A_227 : vector<2048x512xi32> to vector<2048x512xf32>
    %eq3A_229 = vector.broadcast %transpose3A_224 : vector<2048x1xf32> to vector<2048x512xf32>
    %eq3A_230 = arith.cmpf oeq, %eq3A_229, %convert_element_type3A : vector<2048x512xf32>
    %convert_element_type3A_231 = arith.extui %eq3A_230 : vector<2048x512xi1> to vector<2048x512xi32>
    %convert_element_type3A_232 = arith.sitofp %convert_element_type3A_231 : vector<2048x512xi32> to vector<2048x512xf32>
    %dot_general3A_233 = arith.constant dense<0.000000e+00> : vector<2048x16xf32>
    %dot_general3A_234 = tpu.matmul %convert_element_type3A_228, %dot_general3A_217, %dot_general3A_233 {dimension_numbers = #tpu.dot_dimension_numbers<[1], [0], [0], [1], [0, 0, 1, 1], [], []>, precision = #tpu.contract_precision<fp32>, transpose_lhs_hint = false} : vector<2048x512xf32>, vector<512x16xf32>, vector<2048x16xf32> -> vector<2048x16xf32>
    %dot_general3A_235 = arith.constant dense<0.000000e+00> : vector<2048x16xf32>
    %dot_general3A_236 = tpu.matmul %convert_element_type3A_232, %dot_general3A_220, %dot_general3A_235 {dimension_numbers = #tpu.dot_dimension_numbers<[1], [0], [0], [1], [0, 0, 1, 1], [], []>, precision = #tpu.contract_precision<fp32>, transpose_lhs_hint = false} : vector<2048x512xf32>, vector<512x16xf32>, vector<2048x16xf32> -> vector<2048x16xf32>
    %add3A_237 = arith.addf %dot_general3A_234, %dot_general3A_236 : vector<2048x16xf32>
    %get3A_238 = arith.constant 0 : index
    %get3A_239 = arith.constant 0 : index
    %get3A_240 = vector.load %arg8[%get3A_238, %get3A_239] : memref<1x16xf32, #tpu.memory_space<vmem>>, vector<1x16xf32>
    %add3A_241 = vector.broadcast %get3A_240 : vector<1x16xf32> to vector<2048x16xf32>
    %add3A_242 = arith.addf %add3A_237, %add3A_241 : vector<2048x16xf32>
    %mul3A_243 = arith.constant 5.000000e-01 : f32
    %mul3A_244 = vector.broadcast %mul3A_243 : f32 to vector<2048x16xf32>
    %mul3A_245 = arith.mulf %add3A_242, %mul3A_244 : vector<2048x16xf32>
    %neg3A_246 = arith.constant 0.000000e+00 : f32
    %neg3A_247 = vector.broadcast %neg3A_246 : f32 to vector<2048x16xf32>
    %neg3A_248 = arith.subf %neg3A_247, %add3A_242 : vector<2048x16xf32>
    %mul3A_249 = arith.constant 0.707106769 : f32
    %mul3A_250 = vector.broadcast %mul3A_249 : f32 to vector<2048x16xf32>
    %mul3A_251 = arith.mulf %neg3A_248, %mul3A_250 : vector<2048x16xf32>
    %abs3A_252 = math.absf %mul3A_251 : vector<2048x16xf32>
    %lt3A_253 = arith.constant 1.000000e+00 : f32
    %lt3A_254 = vector.broadcast %lt3A_253 : f32 to vector<2048x16xf32>
    %lt3A_255 = arith.cmpf olt, %abs3A_252, %lt3A_254 : vector<2048x16xf32>
    %mul3A_256 = arith.mulf %mul3A_251, %mul3A_251 : vector<2048x16xf32>
    %mul3A_257 = arith.constant 7.85386146E-5 : f32
    %mul3A_258 = vector.broadcast %mul3A_257 : f32 to vector<2048x16xf32>
    %mul3A_259 = arith.mulf %mul3A_256, %mul3A_258 : vector<2048x16xf32>
    %add3A_260 = arith.constant -8.0101937E-4 : f32
    %add3A_261 = vector.broadcast %add3A_260 : f32 to vector<2048x16xf32>
    %add3A_262 = arith.addf %mul3A_259, %add3A_261 : vector<2048x16xf32>
    %mul3A_263 = arith.mulf %add3A_262, %mul3A_256 : vector<2048x16xf32>
    %add3A_264 = arith.constant 0.00518832775 : f32
    %add3A_265 = vector.broadcast %add3A_264 : f32 to vector<2048x16xf32>
    %add3A_266 = arith.addf %mul3A_263, %add3A_265 : vector<2048x16xf32>
    %mul3A_267 = arith.mulf %add3A_266, %mul3A_256 : vector<2048x16xf32>
    %add3A_268 = arith.constant -0.0268538129 : f32
    %add3A_269 = vector.broadcast %add3A_268 : f32 to vector<2048x16xf32>
    %add3A_270 = arith.addf %mul3A_267, %add3A_269 : vector<2048x16xf32>
    %mul3A_271 = arith.mulf %add3A_270, %mul3A_256 : vector<2048x16xf32>
    %add3A_272 = arith.constant 0.112835854 : f32
    %add3A_273 = vector.broadcast %add3A_272 : f32 to vector<2048x16xf32>
    %add3A_274 = arith.addf %mul3A_271, %add3A_273 : vector<2048x16xf32>
    %mul3A_275 = arith.mulf %add3A_274, %mul3A_256 : vector<2048x16xf32>
    %add3A_276 = arith.constant -0.37612626 : f32
    %add3A_277 = vector.broadcast %add3A_276 : f32 to vector<2048x16xf32>
    %add3A_278 = arith.addf %mul3A_275, %add3A_277 : vector<2048x16xf32>
    %mul3A_279 = arith.mulf %add3A_278, %mul3A_256 : vector<2048x16xf32>
    %add3A_280 = arith.constant 1.12837911 : f32
    %add3A_281 = vector.broadcast %add3A_280 : f32 to vector<2048x16xf32>
    %add3A_282 = arith.addf %mul3A_279, %add3A_281 : vector<2048x16xf32>
    %mul3A_283 = arith.mulf %mul3A_251, %add3A_282 : vector<2048x16xf32>
    %sub3A_284 = arith.constant 1.000000e+00 : f32
    %sub3A_285 = vector.broadcast %sub3A_284 : f32 to vector<2048x16xf32>
    %sub3A_286 = arith.subf %sub3A_285, %mul3A_283 : vector<2048x16xf32>
    %div3A_287 = arith.constant 1.000000e+00 : f32
    %div3A_288 = vector.broadcast %div3A_287 : f32 to vector<2048x16xf32>
    %div3A_289 = arith.divf %div3A_288, %mul3A_256 : vector<2048x16xf32>
    %mul3A_290 = arith.constant 2.326820e-02 : f32
    %mul3A_291 = vector.broadcast %mul3A_290 : f32 to vector<2048x16xf32>
    %mul3A_292 = arith.mulf %div3A_289, %mul3A_291 : vector<2048x16xf32>
    %add3A_293 = arith.constant -0.138703942 : f32
    %add3A_294 = vector.broadcast %add3A_293 : f32 to vector<2048x16xf32>
    %add3A_295 = arith.addf %mul3A_292, %add3A_294 : vector<2048x16xf32>
    %mul3A_296 = arith.mulf %add3A_295, %div3A_289 : vector<2048x16xf32>
    %add3A_297 = arith.constant 0.368742466 : f32
    %add3A_298 = vector.broadcast %add3A_297 : f32 to vector<2048x16xf32>
    %add3A_299 = arith.addf %mul3A_296, %add3A_298 : vector<2048x16xf32>
    %mul3A_300 = arith.mulf %add3A_299, %div3A_289 : vector<2048x16xf32>
    %add3A_301 = arith.constant -0.582473278 : f32
    %add3A_302 = vector.broadcast %add3A_301 : f32 to vector<2048x16xf32>
    %add3A_303 = arith.addf %mul3A_300, %add3A_302 : vector<2048x16xf32>
    %mul3A_304 = arith.mulf %add3A_303, %div3A_289 : vector<2048x16xf32>
    %add3A_305 = arith.constant 0.621000468 : f32
    %add3A_306 = vector.broadcast %add3A_305 : f32 to vector<2048x16xf32>
    %add3A_307 = arith.addf %mul3A_304, %add3A_306 : vector<2048x16xf32>
    %mul3A_308 = arith.mulf %add3A_307, %div3A_289 : vector<2048x16xf32>
    %add3A_309 = arith.constant -0.494451523 : f32
    %add3A_310 = vector.broadcast %add3A_309 : f32 to vector<2048x16xf32>
    %add3A_311 = arith.addf %mul3A_308, %add3A_310 : vector<2048x16xf32>
    %mul3A_312 = arith.mulf %add3A_311, %div3A_289 : vector<2048x16xf32>
    %add3A_313 = arith.constant 3.404880e-01 : f32
    %add3A_314 = vector.broadcast %add3A_313 : f32 to vector<2048x16xf32>
    %add3A_315 = arith.addf %mul3A_312, %add3A_314 : vector<2048x16xf32>
    %mul3A_316 = arith.mulf %add3A_315, %div3A_289 : vector<2048x16xf32>
    %add3A_317 = arith.constant -0.274112701 : f32
    %add3A_318 = vector.broadcast %add3A_317 : f32 to vector<2048x16xf32>
    %add3A_319 = arith.addf %mul3A_316, %add3A_318 : vector<2048x16xf32>
    %mul3A_320 = arith.mulf %add3A_319, %div3A_289 : vector<2048x16xf32>
    %add3A_321 = arith.constant 0.563825965 : f32
    %add3A_322 = vector.broadcast %add3A_321 : f32 to vector<2048x16xf32>
    %add3A_323 = arith.addf %mul3A_320, %add3A_322 : vector<2048x16xf32>
    %mul3A_324 = arith.constant -10.477664 : f32
    %mul3A_325 = vector.broadcast %mul3A_324 : f32 to vector<2048x16xf32>
    %mul3A_326 = arith.mulf %div3A_289, %mul3A_325 : vector<2048x16xf32>
    %add3A_327 = arith.constant 1.297720e+01 : f32
    %add3A_328 = vector.broadcast %add3A_327 : f32 to vector<2048x16xf32>
    %add3A_329 = arith.addf %mul3A_326, %add3A_328 : vector<2048x16xf32>
    %mul3A_330 = arith.mulf %add3A_329, %div3A_289 : vector<2048x16xf32>
    %add3A_331 = arith.constant -7.49551868 : f32
    %add3A_332 = vector.broadcast %add3A_331 : f32 to vector<2048x16xf32>
    %add3A_333 = arith.addf %mul3A_330, %add3A_332 : vector<2048x16xf32>
    %mul3A_334 = arith.mulf %add3A_333, %div3A_289 : vector<2048x16xf32>
    %add3A_335 = arith.constant 2.92101908 : f32
    %add3A_336 = vector.broadcast %add3A_335 : f32 to vector<2048x16xf32>
    %add3A_337 = arith.addf %mul3A_334, %add3A_336 : vector<2048x16xf32>
    %mul3A_338 = arith.mulf %add3A_337, %div3A_289 : vector<2048x16xf32>
    %add3A_339 = arith.constant -1.01526523 : f32
    %add3A_340 = vector.broadcast %add3A_339 : f32 to vector<2048x16xf32>
    %add3A_341 = arith.addf %mul3A_338, %add3A_340 : vector<2048x16xf32>
    %mul3A_342 = arith.mulf %add3A_341, %div3A_289 : vector<2048x16xf32>
    %add3A_343 = arith.constant 0.42184633 : f32
    %add3A_344 = vector.broadcast %add3A_343 : f32 to vector<2048x16xf32>
    %add3A_345 = arith.addf %mul3A_342, %add3A_344 : vector<2048x16xf32>
    %mul3A_346 = arith.mulf %add3A_345, %div3A_289 : vector<2048x16xf32>
    %add3A_347 = arith.constant -0.282076746 : f32
    %add3A_348 = vector.broadcast %add3A_347 : f32 to vector<2048x16xf32>
    %add3A_349 = arith.addf %mul3A_346, %add3A_348 : vector<2048x16xf32>
    %mul3A_350 = arith.mulf %add3A_349, %div3A_289 : vector<2048x16xf32>
    %add3A_351 = arith.constant 0.564189494 : f32
    %add3A_352 = vector.broadcast %add3A_351 : f32 to vector<2048x16xf32>
    %add3A_353 = arith.addf %mul3A_350, %add3A_352 : vector<2048x16xf32>
    %lt3A_354 = arith.constant 2.000000e+00 : f32
    %lt3A_355 = vector.broadcast %lt3A_354 : f32 to vector<2048x16xf32>
    %lt3A_356 = arith.cmpf olt, %abs3A_252, %lt3A_355 : vector<2048x16xf32>
    %select_n3A_357 = arith.select %lt3A_356, %add3A_323, %add3A_353 : vector<2048x16xi1>, vector<2048x16xf32>
    %neg3A_358 = arith.constant 0.000000e+00 : f32
    %neg3A_359 = vector.broadcast %neg3A_358 : f32 to vector<2048x16xf32>
    %neg3A_360 = arith.subf %neg3A_359, %mul3A_256 : vector<2048x16xf32>
    %exp3A_361 = math.exp %neg3A_360 : vector<2048x16xf32>
    %div3A_362 = arith.constant 1.000000e+00 : f32
    %div3A_363 = vector.broadcast %div3A_362 : f32 to vector<2048x16xf32>
    %div3A_364 = arith.divf %div3A_363, %abs3A_252 : vector<2048x16xf32>
    %mul3A_365 = arith.mulf %exp3A_361, %div3A_364 : vector<2048x16xf32>
    %mul3A_366 = arith.mulf %mul3A_365, %select_n3A_357 : vector<2048x16xf32>
    %lt3A_367 = arith.constant -88.7228394 : f32
    %lt3A_368 = vector.broadcast %lt3A_367 : f32 to vector<2048x16xf32>
    %lt3A_369 = arith.cmpf olt, %neg3A_360, %lt3A_368 : vector<2048x16xf32>
    %jit3A_370 = arith.constant 0.000000e+00 : f32
    %broadcast_in_dim3A_371 = vector.broadcast %jit3A_370 : f32 to vector<2048x16xf32>
    %select_n3A_372 = arith.select %lt3A_369, %broadcast_in_dim3A_371, %mul3A_366 : vector<2048x16xi1>, vector<2048x16xf32>
    %lt3A_373 = arith.constant 0.000000e+00 : f32
    %lt3A_374 = vector.broadcast %lt3A_373 : f32 to vector<2048x16xf32>
    %lt3A_375 = arith.cmpf olt, %mul3A_251, %lt3A_374 : vector<2048x16xf32>
    %sub3A_376 = arith.constant 2.000000e+00 : f32
    %sub3A_377 = vector.broadcast %sub3A_376 : f32 to vector<2048x16xf32>
    %sub3A_378 = arith.subf %sub3A_377, %select_n3A_372 : vector<2048x16xf32>
    %select_n3A_379 = arith.select %lt3A_375, %sub3A_378, %select_n3A_372 : vector<2048x16xi1>, vector<2048x16xf32>
    %select_n3A_380 = arith.select %lt3A_255, %sub3A_286, %select_n3A_379 : vector<2048x16xi1>, vector<2048x16xf32>
    %mul3A_381 = arith.mulf %mul3A_245, %select_n3A_380 : vector<2048x16xf32>
    %transpose3A_382 = tpu.transpose %logistic3A_208, [1, 0] : vector<1x2048xf32> -> vector<2048x1xf32>
    %mul3A_383 = vector.broadcast %transpose3A_382 : vector<2048x1xf32> to vector<2048x16xf32>
    %mul3A_384 = arith.mulf %mul3A_381, %mul3A_383 : vector<2048x16xf32>
    %slice3A_385 = vector.extract_strided_slice %mul3A_384 {offsets = [0, 0], sizes = [1308, 16], strides = [1, 1]} : vector<2048x16xf32> to vector<1308x16xf32>
    %swap3A_386 = arith.constant 0 : index
    %swap3A_387 = arith.constant 0 : index
    %swap3A_388 = vector.load %arg10[%swap3A_386, %swap3A_387] : memref<1308x16xf32, #tpu.memory_space<vmem>>, vector<1308x16xf32>
    tpu.vector_store %arg10[%swap3A_386, %swap3A_387], %slice3A_385 {strides = array<i32>} : memref<1308x16xf32, #tpu.memory_space<vmem>>, vector<1308x16xf32>,
    %slice3A_389 = vector.extract_strided_slice %logistic3A_208 {offsets = [0, 0], sizes = [1, 1308], strides = [1, 1]} : vector<1x2048xf32> to vector<1x1308xf32>
    %sub3A_390 = arith.constant 1.000000e+00 : f32
    %sub3A_391 = vector.broadcast %sub3A_390 : f32 to vector<1x1308xf32>
    %sub3A_392 = arith.subf %sub3A_391, %slice3A_389 : vector<1x1308xf32>
    %reduce_sum3A_393 = vector.shape_cast %sub3A_392 : vector<1x1308xf32> to vector<1x1x1308xf32>
    %reduce_sum3A_394 = arith.constant dense<0.000000e+00> : vector<1xf32>
    %reduce_sum3A_395 = vector.multi_reduction <add>, %reduce_sum3A_393, %reduce_sum3A_394 [1, 2] : vector<1x1x1308xf32> to vector<1xf32>
    %reduce_sum3A_396 = vector.shape_cast %reduce_sum3A_395 : vector<1xf32> to vector<1x1x1xf32>
    %reduce_sum3A_397 = vector.extract %reduce_sum3A_396[0, 0, 0] : f32 from vector<1x1x1xf32>
    %mul3A_398 = arith.constant 7.645260e-04 : f32
    %mul3A_399 = arith.mulf %reduce_sum3A_397, %mul3A_398 : f32
    %broadcast_in_dim3A_400 = vector.broadcast %mul3A_399 : f32 to vector<1x1xf32>
    %swap3A_401 = arith.constant 0 : index
    %swap3A_402 = arith.constant 0 : index
    %swap3A_403 = vector.load %arg11[%swap3A_401, %swap3A_402] : memref<1x1xf32, #tpu.memory_space<vmem>>, vector<1x1xf32>
    tpu.vector_store %arg11[%swap3A_401, %swap3A_402], %broadcast_in_dim3A_400 {strides = array<i32>} : memref<1x1xf32, #tpu.memory_space<vmem>>, vector<1x1xf32>,
    return
  }
}

</mosaic_0001>

<sc_bundles>
// kernel: kernel.5.cloned.1.call-start
scs
__scs_entry_jumppad:
0x0: {  	(pc) =	sbr.rel $0x88, $3  }
0x1: {  	(tag) =	ssettag $0x0;
	lr =	simm.s32 $0x1  }
0x2: {  	[smem:$0x3F9A] =	sst lr;
	_ =	strace $0xD0000000  }
0x3: {  	_ = 	snop  }
0x4: {  	_ = 	snop  }
0x5: {  	_ = 	snop  }
0x6: {  	_ = 	snop  }
0x7: {  	_ = 	snop  }
__scs_overlays_trampoline_lowered:
0x8: {  	[smem:$0x3FA9] =	sst s0  }
0x9: {  	[smem:$0x3FAA] =	sst s1  }
0xa: {  	[smem:$0x3FAB] =	sst s2  }
0xb: {  	[smem:$0x3FAC] =	sst s3  }
0xc: {  	[smem:$0x3FAD] =	sst s4  }
0xd: {  	[smem:$0x3FAE] =	sst s5  }
0xe: {  	[smem:$0x3FAF] =	sst s6  }
0xf: {  	[smem:$0x3FB0] =	sst s7  }
0x10: {  	[smem:$0x3FB1] =	sst s8  }
0x11: {  	[smem:$0x3FB2] =	sst s9;
	s0 =	simm.s32 @!p0 $0x0  }
0x12: {  	s1 =	sld [smem:$0x3F98];
	s0 =	simm.s32 @p0 $0x1  }
0x13: {  	[smem:$0x3FB3] =	sst s0;
	s0 =	simm.s32 @!p1 $0x0  }
0x14: {  	s2 =	sld [smem:$0x3F97];
	s0 =	simm.s32 @p1 $0x1  }
0x15: {  	[smem:$0x3FB4] =	sst s0;
	s0 =	simm.s32 @!p2 $0x0  }
0x16: {  	s3 =	sld [smem:$0x3FDB];
	s0 =	simm.s32 @p2 $0x1  }
0x17: {  	s4 =	simm.s32 $0x1BF5;
	[smem:$0x3FB6] =	sst s0  }
0x18: {  	s0 =	sld [smem:$0x3F99];
	_ =	swait.ge [sflag:s4], $0x0  }
0x19: {  	s7 =	sld [smem:$0x3F9A]  }
0x1a: {  	s8 =	sadd.s32 $0xFFFFE003, lr  }
0x1b: {  	s9 =	sadd.s32 $0xFFFFFEF7, lr;
	s5 =	simm.s32 $0xFFFFFFFF;
	p2 =	slt.u32 s8, $0xFFFFF086  }
0x1c: {  	p1 =	slt.u32 s9, $0xF7A;
	s5 =	simm.s32 @!p2 $0x0  }
0x1d: {  	s5 =	simm.s32 @p1 $0x1;
	p0 =	seq.s32 s7, s2  }
0x1e: {  	s7 =	smul.u32 @!p0 $0xF7A, s2;
	p2 =	seq.s32 @!p0 s5, $0x0  }
0x1f: {  	s9 =	smul.u32 $0xF7A, s1;
	s8 =	simm.s32 @!p0 $0x1BF5;
	p2 =	por !p2, p0  }
0x20: {  	[sflag:s8] =	ssyncset.s32 @!p0 $0xFFFFF086;
	s6 =	sadd.s32 @!p0 s3, s7;
	s7 =	simm.s32 @!p0 $0x108  }
0x21: {  	s3 =	sadd.s32 s3, s9;
	s6 =	sadd.s32 @!p0 $0x88, s6;
	s7 =	simm.s32 @p2 $0x1082  }
0x22: {  	[simem:s7], [sflag:s8] =	dma.local @!p0 [hbm:s6], $0xF7A  }
0x23: {  	s9 =	sor.u32 $0xD0000000, s2;
	s6 =	simm.s32 $0x108;
	_ =	swait.ge @!p0 [sflag:s8], $0x0  }
0x24: {  	s3 =	sadd.s32 $0x88, s3;
	s6 =	simm.s32 @!p1 $0x1082;
	[sflag:s4] =	ssyncset.s32 $0xFFFFF086  }
0x25: {  	[simem:s6], [sflag:s4] =	dma.local [hbm:s3], $0xF7A  }
0x26: {  	[smem:$0x3F9A] =	sst s1;
	(tag) =	ssettag s2;
	_ =	strace s9  }
0x27: {  	s1 =	sld [smem:$0x3FAA]  }
0x28: {  	s2 =	sld [smem:$0x3FAB]  }
0x29: {  	s4 =	sld [smem:$0x3FAD]  }
0x2a: {  	p0 =	seq.s32 s5, $0x0;
	s5 =	sld [smem:$0x3FAE]  }
0x2b: {  	s6 =	sld [smem:$0x3FAF]  }
0x2c: {  	s7 =	sld [smem:$0x3FB0]  }
0x2d: {  	s3 =	simm.s32 $0x108;
	s8 =	sld [smem:$0x3FB1]  }
0x2e: {  	s3 =	simm.s32 @!p0 $0x1082;
	s9 =	sld [smem:$0x3FB2]  }
0x2f: {  	lr =	sadd.s32 s0, s3;
	s0 =	sld [smem:$0x3FA9]  }
0x30: {  	s3 =	sld [smem:$0x3FAC]  }
0x31: {  	[smem:$0x3FB5] =	sst s10  }
0x32: {  	s10 =	sld [smem:$0x3FB3];
	_ =	sdelay $0x3  }
0x33: {  	p0 =	seq.s32 s10, $0x1;
	s10 =	sld [smem:$0x3FB5];
	_ =	sdelay $0x3  }
0x34: {  	[smem:$0x3FB5] =	sst s10  }
0x35: {  	s10 =	sld [smem:$0x3FB4];
	_ =	sdelay $0x3  }
0x36: {  	p1 =	seq.s32 s10, $0x1;
	s10 =	sld [smem:$0x3FB5];
	_ =	sdelay $0x3  }
0x37: {  	[smem:$0x3FB5] =	sst s10  }
0x38: {  	s10 =	sld [smem:$0x3FB6]  }
0x39: {  	_ = 	snop;
	(pc) =	sbr.ind lr, $3  }
0x3a: {  	_ = 	snop  }
0x3b: {  	_ = 	snop  }
0x3c: {  	p2 =	seq.s32 s10, $0x1;
	s10 =	sld [smem:$0x3FB5]  }
0x3d: {  	_ =	shalt  }
0x3e: {  	_ =	shalt  }
0x3f: {  	_ =	shalt  }
0x40: {  	_ =	shalt  }
0x41: {  	_ =	shalt  }
0x42: {  	_ =	shalt  }
0x43: {  	_ =	shalt  }
0x44: {  	_ =	shalt  }
0x45: {  	_ =	shalt  }
0x46: {  	_ =	shalt  }
0x47: {  	_ =	shalt  }
0x48: {  	_ =	shalt  }
0x49: {  	_ =	shalt  }
0x4a: {  	_ =	shalt  }
0x4b: {  	_ =	shalt  }
0x4c: {  	_ =	shalt  }
0x4d: {  	_ =	shalt  }
0x4e: {  	_ =	shalt  }
0x4f: {  	_ =	shalt  }
0x50: {  	_ =	shalt  }
0x51: {  	_ =	shalt  }
0x52: {  	_ =	shalt  }
0x53: {  	_ =	shalt  }
0x54: {  	_ =	shalt  }
0x55: {  	_ =	shalt  }
0x56: {  	_ =	shalt  }
0x57: {  	_ =	shalt  }
0x58: {  	_ =	shalt  }
0x59: {  	_ =	shalt  }
0x5a: {  	_ =	shalt  }
0x5b: {  	_ =	shalt  }
0x5c: {  	_ =	shalt  }
0x5d: {  	_ =	shalt  }
0x5e: {  	_ =	shalt  }
0x5f: {  	_ =	shalt  }
0x60: {  	_ =	shalt  }
0x61: {  	_ =	shalt  }
0x62: {  	_ =	shalt  }
0x63: {  	_ =	shalt  }
0x64: {  	_ =	shalt  }
0x65: {  	_ =	shalt  }
0x66: {  	_ =	shalt  }
0x67: {  	_ =	shalt  }
0x68: {  	_ =	shalt  }
0x69: {  	_ =	shalt  }
0x6a: {  	_ =	shalt  }
0x6b: {  	_ =	shalt  }
0x6c: {  	_ =	shalt  }
0x6d: {  	_ =	shalt  }
0x6e: {  	_ =	shalt  }
0x6f: {  	_ =	shalt  }
0x70: {  	_ =	shalt  }
0x71: {  	_ =	shalt  }
0x72: {  	_ =	shalt  }
0x73: {  	_ =	shalt  }
0x74: {  	_ =	shalt  }
0x75: {  	_ =	shalt  }
0x76: {  	_ =	shalt  }
0x77: {  	_ =	shalt  }
0x78: {  	_ =	shalt  }
0x79: {  	_ =	shalt  }
0x7a: {  	_ =	shalt  }
0x7b: {  	_ =	shalt  }
0x7c: {  	_ =	shalt  }
0x7d: {  	_ =	shalt  }
0x7e: {  	_ =	shalt  }
0x7f: {  	_ =	shalt  }
0x80: {  	_ =	shalt  }
0x81: {  	_ =	shalt  }
0x82: {  	_ =	shalt  }
0x83: {  	_ =	shalt  }
0x84: {  	_ =	shalt  }
0x85: {  	_ =	shalt  }
0x86: {  	_ =	shalt  }
0x87: {  	_ =	shalt  }
.Lfunc_end0:
.L_simem_size_0:
called_computation_lowered:
.L_overlay_start_0:
0x88: {  	s0 =	sld [smem:$0x3FD9]  }
0x89: {  	s1 =	sld [smem:$0x3FFE];
	_ =	sdelay $0x3  }
0x8a: {  	s0 =	sadd.s32 s1, s0  }
0x8b: {  	[smem:$0x3FC1] =	sst s0  }
0x8c: {  	_ = 	snop  }
0x8d: {  	s0 =	sld [smem:$0x3FD0];
	_ =	sdelay $0x2  }
0x8e: {  	s13 =	simm.s32 $0xA;
	s2 =	simm.s32 $0x10  }
0x8f: {  	[smem:s2], [sflag:s13] =	dma.local [hbm:s0], $0x1  }
0x90: {  	_ =	swait.eq [sflag:s13], $0x1  }
0x91: {  	s14 =	sld [smem:$0x10];
	[sflag:s13] =	ssyncset.done $0x0  }
0x92: {  	s15 =	sld [smem:$0x11];
	[sflag:s13] =	ssyncadd.s32 $0xFFFFFFFF  }
0x93: {  	s16 =	sld [smem:$0x12];
	(tm) =	ssettm $0x1  }
0x94: {  	s3 =	sld [smem:$0x3FFB];
	_ =	sdelay $0x3  }
0x95: {  	_ =	strace s3  }
0x96: {  	s3 =	sld [smem:$0x3FFC];
	_ =	sdelay $0x3  }
0x97: {  	_ =	strace s3  }
0x98: {  	s3 =	sld [smem:$0x3FFD];
	_ =	sdelay $0x3  }
0x99: {  	_ =	strace s3  }
0x9a: {  	_ =	strace $0x8FFFFFFF  }
0x9b: {  	s17 =	sld [smem:$0x3FDB];
	_ =	sdelay $0x1  }
0x9c: {  	s4 =	simm.s32 $_scs_section_size  }
0x9d: {  	s5 =	simm.s32 $_size__tile_overlayer_lowered;
	s6 =	simm.s32 $_tile_overlayer_lowered  }
0x9e: {  	s20 =	simm.s32 $0x1BFF;
	s19 =	sshll.u32 s6, $0x1;
	s3 =	sadd.s32 s4, s17  }
0x9f: {  	s7 =	simm.s32 $0x0;
	s18 =	sshll.u32 s5, $0x1;
	s5 =	sadd.s32 s19, s3  }
0xa0: {  	[timem:s7], [sflag:s20] =	dma.local [hbm:s5], s18  }
0xa1: {  	_ =	swait.ge [sflag:s20], s18  }
0xa2: {  	s4 =	ssub.s32 $0x0, s18;
	[sflag:s20] =	ssyncset.done $0x0  }
0xa3: {  	[sflag:s20] =	ssyncadd.s32 s4;
	_ =	sdelay $0x1  }
0xa4: {  	s21 =	simm.s32 $0x1B8B  }
0xa5: {  	_ =	swait.ge [sflag:s21], $0x1  }
0xa6: {  	[sflag:s21] =	ssyncset.done $0x0  }
0xa7: {  	s23 =	simm.s32 $0x1B8E;
	s22 =	sld [smem:$0x3FFE];
	[sflag:s21] =	ssyncadd.s32 $0xFFFFFFFF  }
0xa8: {  	s24 =	simm.s32 $execute0_lowered;
	[smem:$0x3FD2] =	sst s23  }
0xa9: {  	s5 =	sshll.u32 s24, $0x1;
	_ =	strace $0x80000046;
	[dreg:$0x1] =	wrdreg $0xFFFFFFFF  }
0xaa: {  	s25 =	simm.s32 $_size_execute0_lowered;
	s3 =	sadd.s32 s3, s5;
	[dreg:$0x0] =	wrdreg $0x0  }
0xab: {  	s5 =	sshll.u32 s25, $0x1;
	[dreg:$0x2] =	wrdreg s3  }
0xac: {  	[dreg:$0x3] =	wrdreg s5  }
0xad: {  	[dreg:$0x4] =	wrdreg $0xC0  }
0xae: {  	_ =	task [dreg:s7], $0x5FFFF  }
0xaf: {  	[dreg:$0x1] =	wrdreg $0xFFFFFFFF  }
0xb0: {  	[dreg:$0x0] =	wrdreg $0x60  }
0xb1: {  	[dreg:$0x2] =	wrdreg s22  }
0xb2: {  	[dreg:$0x3] =	wrdreg s16  }
0xb3: {  	[dreg:$0x4] =	wrdreg s14  }
0xb4: {  	[dreg:$0x5] =	wrdreg s15  }
0xb5: {  	[dreg:$0x6] =	wrdreg $0x9  }
0xb6: {  	_ =	task.clear_ibuf [dreg:s7], $0x7FFFF;
	_ =	strace $0x90000046  }
0xb7: {  	s26 =	simm.s32 $0x9;
	_ =	strace $0x80000048  }
0xb8: {  	_ =	swait.ge [sflag:s26], $0x1  }
0xb9: {  	[sflag:s26] =	ssyncadd.s32 $0xFFFFFFFF  }
0xba: {  	_ =	strace $0x90000048  }
0xbb: {  	_ =	sfence  }
0xbc: {  	s28 =	sld [smem:$0x0];
	_ =	sdelay $0x1  }
0xbd: {  	s29 =	srdreg.scid  }
0xbe: {  	s30 =	sshll.u32 s29, $0xD;
	s31 =	sshrl.u32 s29, $0x2  }
0xbf: {  	s1 =	sand.u32 $0x1, s29;
	s2 =	sand.u32 $0x4000, s30;
	s0 =	sadd.s32 s31, s28  }
0xc0: {  	s1 =	sor.u32 s2, s1;
	s0 =	sshll.u32 s0, $0x11  }
0xc1: {  	s0 =	sor.u32 s0, s1  }
0xc2: {  	s0 =	sadd.s32 $0x8F2B, s0  }
0xc3: {  	[sflag:s0] =	ssyncadd.remote.s32 $0x1  }
0xc4: {  	_ =	sfence.sel $0xFFFF  }
0xc5: {  	[dreg:$0x0] =	wrdreg $0xFFFFFFFF;
	(pc) =	sbr.abs _section_cstart, $3  }
0xc6: {  	[dreg:$0x1] =	wrdreg $0xFFFFFFFF  }
0xc7: {  	_ =	task.clear_ibuf [dreg:s7], $0x2FFFF;
	_ =	strace $0x9FFFFFFF  }
0xc8: {  	(tm) =	ssettm $0x7FFFFFFF  }
0xc9: {  	_ =	shalt  }
tec
execute0_lowered:
.L_overlay_start_1:
0x0: {  	(tag) =	ssettag $0x1  }
0x1: {  	s6 =	rddreg [dreg:$0x0]  }
0x2: {  	s5 =	rddreg [dreg:$0x1]  }
0x3: {  	s2 =	rddreg [dreg:$0x2]  }
0x4: {  	s1 =	rddreg [dreg:$0x3]  }
0x5: {  	s0 =	rddreg [dreg:$0x4];
	s3 =	simm.s32 $0x0;
	s4 =	stileid.u32  }
0x6: {  	v0 =	vimm.f32 $-3.000000010e+38;
	s9 =	simm.s32 $0x5080;
	[smem:$0x7FF] =	sst s3;
	p0 =	sne.s32 s4, $0x0  }
0x7: {  	s8 =	sshll.u32 s4, $0x4;
	_ =	strace $0x80000047;
	[tilespmem:$0x5080] =	vst v0;
	v0 =	vimm.s32 $0x40000;
	s7 =	simm.s32 @!p0 $0x0  }
0x8: {  	s14 =	simm.s32 $0x2;
	s10 =	sadd.s32 s2, s8;
	[tilespmem:$0x5100] =	vst v0;
	[smem:$0x0] =	sst @!p0 s7  }
0x9: {  	[hbm4b:s10+s3] =	stream.linear.scatter [tilespmem:s9], [sflag:$0x2], $0x10, $0x38;
	[tilespmem:$0x5180] =	vst v63  }
0xa: {  	_ =	swait.ge [sflag:s14], $0x10  }
0xb: {  	[sflag:s14] =	ssyncset.done $0x0  }
0xc: {  	s15 =	simm.s32 $0x5100;
	s11 =	sadd.s32 s1, s8;
	[sflag:s14] =	ssyncadd.s32 $0xFFFFFFF0  }
0xd: {  	[hbm4b:s11+s3] =	stream.linear.scatter [tilespmem:s15], [sflag:$0x2], $0x10, $0x38;
	[tilespmem:$0x5180] =	vst v63  }
0xe: {  	_ =	swait.ge [sflag:s14], $0x10  }
0xf: {  	s16 =	sor.u32 $0x2, s8;
	[sflag:s14] =	ssyncset.done $0x0  }
0x10: {  	s12 =	sadd.s32 s2, s16;
	[sflag:s14] =	ssyncadd.s32 $0xFFFFFFF0  }
0x11: {  	[hbm4b:s12+s3] =	stream.linear.scatter [tilespmem:s9], [sflag:$0x2], $0x10, $0x38;
	[tilespmem:$0x5180] =	vst v63  }
0x12: {  	_ =	swait.ge [sflag:s14], $0x10  }
0x13: {  	[sflag:s14] =	ssyncset.done $0x0  }
0x14: {  	s11 =	sadd.s32 s1, s16;
	[sflag:s14] =	ssyncadd.s32 $0xFFFFFFF0  }
0x15: {  	[hbm4b:s11+s3] =	stream.linear.scatter [tilespmem:s15], [sflag:$0x2], $0x10, $0x38;
	[tilespmem:$0x5180] =	vst v63  }
0x16: {  	_ =	swait.ge [sflag:s14], $0x10  }
0x17: {  	s17 =	sor.u32 $0x4, s8;
	[sflag:s14] =	ssyncset.done $0x0  }
0x18: {  	s18 =	sadd.s32 s2, s17;
	[sflag:s14] =	ssyncadd.s32 $0xFFFFFFF0  }
0x19: {  	[hbm4b:s18+s3] =	stream.linear.scatter [tilespmem:s9], [sflag:$0x2], $0x10, $0x38;
	[tilespmem:$0x5180] =	vst v63  }
0x1a: {  	_ =	swait.ge [sflag:s14], $0x10  }
0x1b: {  	[sflag:s14] =	ssyncset.done $0x0  }
0x1c: {  	s11 =	sadd.s32 s1, s17;
	[sflag:s14] =	ssyncadd.s32 $0xFFFFFFF0  }
0x1d: {  	[hbm4b:s11+s3] =	stream.linear.scatter [tilespmem:s15], [sflag:$0x2], $0x10, $0x38;
	[tilespmem:$0x5180] =	vst v63  }
0x1e: {  	_ =	swait.ge [sflag:s14], $0x10  }
0x1f: {  	s19 =	sor.u32 $0x6, s8;
	[sflag:s14] =	ssyncset.done $0x0  }
0x20: {  	s20 =	sadd.s32 s2, s19;
	[sflag:s14] =	ssyncadd.s32 $0xFFFFFFF0  }
0x21: {  	[hbm4b:s20+s3] =	stream.linear.scatter [tilespmem:s9], [sflag:$0x2], $0x10, $0x38;
	[tilespmem:$0x5180] =	vst v63  }
0x22: {  	_ =	swait.ge [sflag:s14], $0x10  }
0x23: {  	[sflag:s14] =	ssyncset.done $0x0  }
0x24: {  	s11 =	sadd.s32 s1, s19;
	[sflag:s14] =	ssyncadd.s32 $0xFFFFFFF0  }
0x25: {  	[hbm4b:s11+s3] =	stream.linear.scatter [tilespmem:s15], [sflag:$0x2], $0x10, $0x38;
	[tilespmem:$0x5180] =	vst v63  }
0x26: {  	_ =	swait.ge [sflag:s14], $0x10  }
0x27: {  	s21 =	sor.u32 $0x8, s8;
	[sflag:s14] =	ssyncset.done $0x0  }
0x28: {  	s22 =	sadd.s32 s2, s21;
	[sflag:s14] =	ssyncadd.s32 $0xFFFFFFF0  }
0x29: {  	[hbm4b:s22+s3] =	stream.linear.scatter [tilespmem:s9], [sflag:$0x2], $0x10, $0x38;
	[tilespmem:$0x5180] =	vst v63  }
0x2a: {  	_ =	swait.ge [sflag:s14], $0x10  }
0x2b: {  	[sflag:s14] =	ssyncset.done $0x0  }
0x2c: {  	s11 =	sadd.s32 s1, s21;
	[sflag:s14] =	ssyncadd.s32 $0xFFFFFFF0  }
0x2d: {  	[hbm4b:s11+s3] =	stream.linear.scatter [tilespmem:s15], [sflag:$0x2], $0x10, $0x38;
	[tilespmem:$0x5180] =	vst v63  }
0x2e: {  	_ =	swait.ge [sflag:s14], $0x10  }
0x2f: {  	s23 =	sor.u32 $0xA, s8;
	[sflag:s14] =	ssyncset.done $0x0  }
0x30: {  	s24 =	sadd.s32 s2, s23;
	[sflag:s14] =	ssyncadd.s32 $0xFFFFFFF0  }
0x31: {  	[hbm4b:s24+s3] =	stream.linear.scatter [tilespmem:s9], [sflag:$0x2], $0x10, $0x38;
	[tilespmem:$0x5180] =	vst v63  }
0x32: {  	_ =	swait.ge [sflag:s14], $0x10  }
0x33: {  	[sflag:s14] =	ssyncset.done $0x0  }
0x34: {  	s11 =	sadd.s32 s1, s23;
	[sflag:s14] =	ssyncadd.s32 $0xFFFFFFF0  }
0x35: {  	[hbm4b:s11+s3] =	stream.linear.scatter [tilespmem:s15], [sflag:$0x2], $0x10, $0x38;
	[tilespmem:$0x5180] =	vst v63  }
0x36: {  	_ =	swait.ge [sflag:s14], $0x10  }
0x37: {  	s25 =	sor.u32 $0xC, s8;
	[sflag:s14] =	ssyncset.done $0x0  }
0x38: {  	s26 =	sadd.s32 s2, s25;
	[sflag:s14] =	ssyncadd.s32 $0xFFFFFFF0  }
0x39: {  	[hbm4b:s26+s3] =	stream.linear.scatter [tilespmem:s9], [sflag:$0x2], $0x10, $0x38;
	[tilespmem:$0x5180] =	vst v63  }
0x3a: {  	_ =	swait.ge [sflag:s14], $0x10  }
0x3b: {  	[sflag:s14] =	ssyncset.done $0x0  }
0x3c: {  	s11 =	sadd.s32 s1, s25;
	[sflag:s14] =	ssyncadd.s32 $0xFFFFFFF0  }
0x3d: {  	[hbm4b:s11+s3] =	stream.linear.scatter [tilespmem:s15], [sflag:$0x2], $0x10, $0x38;
	[tilespmem:$0x5180] =	vst v63  }
0x3e: {  	_ =	swait.ge [sflag:s14], $0x10  }
0x3f: {  	s8 =	sor.u32 $0xE, s8;
	[sflag:s14] =	ssyncset.done $0x0  }
0x40: {  	s28 =	sadd.s32 s2, s8;
	[sflag:s14] =	ssyncadd.s32 $0xFFFFFFF0  }
0x41: {  	[hbm4b:s28+s3] =	stream.linear.scatter [tilespmem:s9], [sflag:$0x2], $0x10, $0x38;
	[tilespmem:$0x5180] =	vst v63  }
0x42: {  	_ =	swait.ge [sflag:s14], $0x10  }
0x43: {  	[sflag:s14] =	ssyncset.done $0x0  }
0x44: {  	s8 =	sadd.s32 s1, s8;
	[sflag:s14] =	ssyncadd.s32 $0xFFFFFFF0  }
0x45: {  	[hbm4b:s8+s3] =	stream.linear.scatter [tilespmem:s15], [sflag:$0x2], $0x10, $0x38;
	[tilespmem:$0x5180] =	vst v63  }
0x46: {  	s29 =	sshll.u32 s4, $0xB;
	_ =	swait.ge [sflag:s14], $0x10  }
0x47: {  	s6 =	sadd.s32 s29, s6;
	[sflag:s14] =	ssyncset.done $0x0  }
0x48: {  	s6 =	sadd.s32 $0x1E00, s6;
	[sflag:s14] =	ssyncadd.s32 $0xFFFFFFF0  }
0x49: {  	[tilespmem:s3], [sflag:$0x2] =	stream.linear.gather [hbm4b:s6+s3], $0x4000, $0x38;
	[tilespmem:$0x5180] =	vst v63  }
0x4a: {  	_ =	swait.ge [sflag:s14], $0x4000  }
0x4b: {  	[sflag:s14] =	ssyncset.done $0x0  }
0x4c: {  	s30 =	simm.s32 $0x4000;
	[sflag:s14] =	ssyncadd.s32 $0xFFFFC000  }
0x4d: {  	[tilespmem:s30], [sflag:$0x2] =	stream.linear.gather [hbm4b:s5+s3], $0x80, $0x38;
	[tilespmem:$0x5180] =	vst v63  }
0x4e: {  	_ =	swait.ge [sflag:s14], $0x80  }
0x4f: {  	[sflag:s14] =	ssyncset.done $0x0  }
0x50: {  	[sflag:s14] =	ssyncadd.s32 $0xFFFFFF80  }
0x51: {  	s31 =	simm.s32 $0x0;
	v1 =	vld [tilespmem:$0x4000]  }
0x52: {  	v3 =	vld [tilespmem:s31+$0x0];
	_ =	sdelay $0x4  }
0x53: {  	v2 =	vimm.s32 $0x0;
	vm0 =	vge.f32 v3, v1  }
0x54: {  	v0 =	vsel vm0, $0x1, v2  }
0x55: {  	(xrf0) =	vadd.scan.msk.s32 $0xffff, v0;
	_ =	sdelay $0x2  }
0x56: {  	v0 =	vmov s3  }
0x57: {  	v0 =	vadd.s32 $0xFFFFFFFF, v0  }
0x58: {  	v0 =	vbroadcast v0, $0x0  }
0x59: {  	v4, _, _ =	vpop (xrf0)  }
0x5a: {  	v5 =	vadd.s32 v4, v0;
	(v2sf) =	vpush v4, $0xF  }
0x5b: {  	vm1 =	vlt.s32 v5, $0x800  }
0x5c: {  	vm0 =	vmand vm0, vm1;
	_ =	sdelay $0x4  }
0x5d: {  	s6 =	sshll.u32 s4, $0xE;
	s4 =	simm.s32 $0x4080;
	v0 =	vlaneseq.u32  }
0x5e: {  	s5 =	simm.s32 $0x4880;
	[tilespmem:v5+s4+$0x0] =	vst.idx.msk vm0, v3;
	v3 =	vor.u32 s6, v0  }
0x5f: {  	s7 =	simm.s32 $0x80;
	s8 =	simm.s32 $0x10;
	[tilespmem:v5+s5+$0x0] =	vst.idx.msk vm0, v3  }
.LBB2_1:
0x60: {  	p1 =	sne.s32 s7, $0xFFC0;
	v3 =	vld [tilespmem:s8+$0x0];
	_ =	sdelay $0x4  }
0x61: {  	vm0 =	vge.f32 v3, v1;
	s8 =	spop (v2sf)  }
0x62: {  	v4 =	vsel vm0, $0x1, v2;
	s3 =	sadd.s32 s3, s8  }
0x63: {  	v5 =	vmov s3;
	(xrf0) =	vadd.scan.msk.s32 $0xffff, v4  }
0x64: {  	v4 =	vadd.s32 $0xFFFFFFFF, v5  }
0x65: {  	v4 =	vbroadcast v4, $0x0;
	_ =	sdelay $0x3  }
0x66: {  	v5, _, _ =	vpop (xrf0)  }
0x67: {  	v4 =	vadd.s32 v5, v4;
	(v2sf) =	vpush v5, $0xF  }
0x68: {  	vm1 =	vlt.s32 v4, $0x800  }
0x69: {  	vm0 =	vmand vm0, vm1;
	_ =	sdelay $0x2  }
.Ltmp0:
0x6a: {  	(pc) =	sbr.rel @p1 .LBB2_1-.Ltmp0, $4  }
0x6b: {  	_ = 	snop  }
0x6c: {  	s6 =	sadd.s32 $0x10, s6  }
0x6d: {  	[tilespmem:v4+s4+$0x0] =	vst.idx.msk vm0, v3;
	v3 =	vor.u32 s6, v0  }
0x6e: {  	s8 =	sshra.s32 s7, $0x2;
	s7 =	sadd.s32 $0x40, s7;
	[tilespmem:v4+s5+$0x0] =	vst.idx.msk vm0, v3  }
0x6f: {  	v3 =	vld [tilespmem:s8+$0x0];
	_ =	sdelay $0x4  }
0x70: {  	vm0 =	vge.f32 v3, v1  }
0x71: {  	v1 =	vsel vm0, $0x1, v2  }
0x72: {  	(xrf0) =	vadd.scan.msk.s32 $0xffff, v1;
	_ =	sdelay $0x5  }
0x73: {  	v1, _, _ =	vpop (xrf0)  }
0x74: {  	(v2sf) =	vpush v1, $0xF;
	_ =	sdelay $0xb  }
0x75: {  	s7 =	spop (v2sf)  }
0x76: {  	s3 =	sadd.s32 s3, s7  }
0x77: {  	v59 =	vmov s3  }
0x78: {  	v2 =	vadd.s32 $0xFFFFFFFF, v59;
	s25 =	spop (v2sf)  }
0x79: {  	v2 =	vbroadcast v2, $0x0;
	s7 =	sadd.s32 s3, s25  }
0x7a: {  	p1 =	slt.s32 s7, $0x7F0  }
0x7b: {  	v1 =	vadd.s32 v1, v2;
	s7 =	simm.s32 @!p1 $0x7F0  }
0x7c: {  	vm1 =	vlt.s32 v1, $0x800;
	s26 =	ssub.s32 $0x0, s7  }
0x7d: {  	vm0 =	vmand vm0, vm1;
	s28 =	sand.u32 $0xF, s26  }
0x7e: {  	v4 =	vlaneseq.u32;
	v60 =	vmov s28  }
0x7f: {  	vm15 =	vgt.u32 v60, v4  }
0x80: {  	v61 =	vadd.s32 s7, v4;
	_ =	sdelay $0x1  }
0x81: {  	s29 =	sadd.s32 $0x10, s6  }
0x82: {  	v0 =	vor.u32 s29, v0;
	[tilespmem:v1+s4+$0x0] =	vst.idx.msk vm0, v3  }
0x83: {  	v62 =	vimm.f32 $-3.000000010e+38;
	[tilespmem:v1+s5+$0x0] =	vst.idx.msk vm0, v0;
	s5 =	simm.s32 $0x4080  }
0x84: {  	v63 =	vimm.s32 $0x40000;
	s3 =	simm.s32 $0x4880;
	[tilespmem:v61+s5+$0x0] =	vst.idx.msk vm15, v62  }
0x85: {  	[tilespmem:v61+s3+$0x0] =	vst.idx.msk vm15, v63  }
0x86: {  	s6 =	simm.s32 $0x1;
	[bflag:$0x0] =	sbarrier.arrive $0xFFFF  }
0x87: {  	s4 =	simm.s32 $0x0;
	s7 =	sadd.s32 s7, s28;
	[sflag:s6] =	ssyncset.done $0x0  }
0x88: {  	[smem:s4], [sflag:$0x1] =	smem.add.s32 s7  }
0x89: {  	_ =	swait.done [sflag:s6]  }
0x8a: {  	s9 =	ssyncread [sflag:$0x1];
	_ =	sdelay $0x2  }
0x8b: {  	s8 =	ssub.s32 $0x800, s9  }
0x8c: {  	p1 =	slt.s32 s7, s8  }
0x8d: {  	s8 =	smov.u32 @p1 s7  }
0x8e: {  	p1 =	sgt.s32 s8, $0x0  }
0x8f: {  	p2 =	slt.s32 s8, $0x1;
	s8 =	simm.s32 @!p1 $0x0  }
0x90: {  	s30 =	sand.u32 $0xF, s8  }
0x91: {  	p6 =	sne.s32 s30, $0x0  }
0x92: {  	p1 =	por !p2, !p6  }
0x93: {  	[sflag:s6] =	ssyncset.s32 $0x0;
	p1 =	por !p1, !p1  }
0x94: {  	[sflag:s6] =	ssyncset.done $0x0;
	s31 =	sshrl.u32 s8, $0x4;
	s6 =	simm.s32 @!p1 $0x0  }
0x95: {  	s6 =	ssub.s32 s31, s6  }
0x96: {  	p1 =	slt.s32 s6, $0x1  }
.Ltmp1:
0x97: {  	_ = 	snop;
	(pc) =	sbr.rel @p1 .LBB2_7-.Ltmp1, $1  }
0x98: {  	_ =	sdelay $0x3  }
0x99: {  	s6 =	ssub.s32 $0x0, s6  }
0x9a: {  	s8 =	sadd.s32 $0x1, s6  }
0x9b: {  	p2 =	seq.s32 s8, $0x0  }
.Ltmp2:
0x9c: {  	_ = 	snop;
	(pc) =	sbr.rel @p2 .LBB2_6-.Ltmp2, $2  }
0x9d: {  	_ =	sdelay $0x2  }
0x9e: {  	s7 =	sshrl.u32 s9, $0x3;
	p1 =	por $0x0, $0x0;
	s6 =	simm.s32 $0x2  }
0x9f: {  	s10 =	sadd.s32 s2, s7;
	s8 =	sadd.s32 $0x1, s8  }
0xa0: {  	[hbm4b:s10+s4] =	stream.linear.scatter [tilespmem:s5], [sflag:$0x2], $0x10, $0x38;
	[tilespmem:$0x5180] =	vst v63  }
0xa1: {  	p2 =	seq.s32 s8, $0x0;
	_ =	swait.ge [sflag:s6], $0x10  }
.Ltmp3:
0xa2: {  	[sflag:s6] =	ssyncset.done $0x0;
	(pc) =	sbr.rel @p2 .LBB2_6-.Ltmp3, $4  }
0xa3: {  	s31 =	sadd.s32 s1, s7;
	s9 =	sadd.s32 $0x10, s9;
	[sflag:s6] =	ssyncadd.s32 $0xFFFFFFF0  }
0xa4: {  	[hbm4b:s31+s4] =	stream.linear.scatter [tilespmem:s3], [sflag:$0x2], $0x10, $0x38;
	[tilespmem:$0x5180] =	vst v63  }
0xa5: {  	p1 =	por $0x1, $0x1;
	s7 =	sshrl.u32 s9, $0x3;
	_ =	swait.ge [sflag:s6], $0x10  }
0xa6: {  	s5 =	simm.s32 $0x4090;
	s3 =	simm.s32 $0x4890;
	[sflag:s6] =	ssyncset.done $0x0  }
.LBB2_5:
0xa7: {  	s8 =	sadd.s32 $0x1, s8;
	s10 =	sadd.s32 s2, s7;
	[sflag:s6] =	ssyncadd.s32 $0xFFFFFFF0  }
0xa8: {  	[hbm4b:s10+s4] =	stream.linear.scatter [tilespmem:s5], [sflag:$0x2], $0x10, $0x38;
	[tilespmem:$0x5180] =	vst v63  }
0xa9: {  	p2 =	seq.s32 s8, $0x0;
	_ =	swait.ge [sflag:s6], $0x10  }
.Ltmp4:
0xaa: {  	[sflag:s6] =	ssyncset.done $0x0;
	(pc) =	sbr.rel @!p2 .LBB2_5-.Ltmp4, $4  }
0xab: {  	s7 =	sadd.s32 s1, s7;
	[sflag:s6] =	ssyncadd.s32 $0xFFFFFFF0  }
0xac: {  	[hbm4b:s7+s4] =	stream.linear.scatter [tilespmem:s3], [sflag:$0x2], $0x10, $0x38;
	[tilespmem:$0x5180] =	vst v63  }
0xad: {  	s9 =	sadd.s32 $0x10, s9;
	s3 =	sadd.s32 $0x10, s3;
	_ =	swait.ge [sflag:s6], $0x10  }
0xae: {  	s5 =	sadd.s32 $0x10, s5;
	s7 =	sshrl.u32 s9, $0x3;
	[sflag:s6] =	ssyncset.done $0x0  }
.LBB2_6:
0xaf: {  	s2 =	sadd.s32 s2, s7;
	[sflag:s6] =	ssyncadd.s32 @p1 $0xFFFFFFF0  }
0xb0: {  	[hbm4b:s2+s4] =	stream.linear.scatter [tilespmem:s5], [sflag:$0x2], $0x10, $0x38;
	[tilespmem:$0x5180] =	vst v63  }
0xb1: {  	_ =	swait.ge [sflag:s6], $0x10  }
0xb2: {  	[sflag:s6] =	ssyncset.done $0x0  }
0xb3: {  	s1 =	sadd.s32 s1, s7;
	[sflag:s6] =	ssyncadd.s32 $0xFFFFFFF0  }
0xb4: {  	[hbm4b:s1+s4] =	stream.linear.scatter [tilespmem:s3], [sflag:$0x2], $0x10, $0x38;
	[tilespmem:$0x5180] =	vst v63  }
0xb5: {  	_ =	swait.ge [sflag:s6], $0x10  }
0xb6: {  	[sflag:s6] =	ssyncset.done $0x0  }
0xb7: {  	[sflag:s6] =	ssyncadd.s32 $0xFFFFFFF0  }
.LBB2_7:
0xb8: {  	_ =	sfence.sel $0x180000  }
0xb9: {  	[bflag:$0x0] =	sbarrier.arrive $0xFFFF  }
0xba: {  	_ =	strace $0x90000047  }
0xbb: {  	s0 =	sadd.s32 @!p0 $0x100000, s0;
	[bflag:$0x2] =	sbarrier.arrive $0xFFFF  }
0xbc: {  	[sflag:s0] =	ssyncadd.tile.s32 @!p0 $0x1;
	_ =	shalt  }
.Lfunc_end2:
_tile_overlayer_lowered:
.L_overlay_start_2:
0xbd: {  	(tag) =	ssettag $0x2  }
0xbe: {  	s0 =	rddreg [dreg:$0x0];
	s2 =	stileid.u32  }
0xbf: {  	s1 =	rddreg [dreg:$0x1];
	p0 =	sne.s32 s2, $0x0  }
0xc0: {  	s3 =	rddreg [dreg:$0x2];
	[bflag:$0x3] =	sbarrier.arrive $0xFFFF;
	s2 =	simm.s32 @!p0 $0x1C01  }
0xc1: {  	[timem:s3], [sflag:s2] =	dma.local @!p0 [hbm:s0], s1  }
0xc2: {  	s0 =	simm.s32 @!p0 $0x1  }
0xc3: {  	_ =	swait.ge @!p0 [sflag:s0], s1  }
0xc4: {  	s1 =	ssub.s32 @!p0 $0x0, s1;
	[sflag:s0] =	ssyncset.done @!p0 $0x0  }
0xc5: {  	[sflag:s0] =	ssyncadd.s32 @!p0 s1  }
0xc6: {  	[bflag:$0x3] =	sbarrier.arrive $0xFFFF  }
0xc7: {  	_ =	shalt  }

</sc_bundles>
